<compile_context>
chip_gen: v7x
topology: tpu7x:2x2x1
jax: 0.10.2.dev20260603
libtpu: 0.0.44.dev20260713+nightly
codegen_flags: <defaults>
</compile_context>

<pallas_src>
import functools

import jax
import jax.numpy as jnp
from jax import lax
from jax.experimental import pallas as pl
from jax.experimental.pallas import tpu as pltpu
from jax.experimental.pallas import tpu_sc as plsc

T = 2048
D = 768
O = 768
E = 8
BT = 256
NT = T // BT
NCHUNK = NT + E - 1
NSPLIT = 3
OH = O // NSPLIT
TP = T
NCORE = 2
NSUB = 16
NW = NCORE * NSUB
TPW = T // NW


def _route_body(x1_ref, x2_ref, wg_ref, dest_ref, ce_ref, loss_ref):
    xf = jnp.concatenate([x1_ref[...], x2_ref[...]], axis=1)
    wg = wg_ref[...]
    logits = lax.dot_general(xf, wg, (((1,), (0,)), ((), ())),
                             preferred_element_type=jnp.float32)
    lt = logits.T
    m = jnp.max(lt, axis=0, keepdims=True)
    eiota = lax.broadcasted_iota(jnp.int32, (E, T), 0)
    e = jnp.min(jnp.where(lt == m, eiota, E), axis=0, keepdims=True)
    oh = (eiota == e).astype(jnp.float32)
    counts = jnp.sum(oh, axis=1, keepdims=True)

    c = oh
    k = 1
    while k < T:
        c = c + jnp.concatenate(
            [jnp.zeros((E, k), jnp.float32), c[:, : T - k]], axis=1)
        k *= 2
    rank = jnp.sum(c * oh, axis=0, keepdims=True) - 1.0

    incc = counts
    k = 1
    while k < E:
        incc = incc + jnp.concatenate(
            [jnp.zeros((k, 1), jnp.float32), incc[: E - k, :]], axis=0)
        k *= 2
    o_ex = incc - counts
    off_t = jnp.sum(o_ex * oh, axis=0, keepdims=True)
    dest_ref[...] = (off_t + rank).astype(jnp.int32)

    tpos = lax.broadcasted_iota(
        jnp.int32, (E, NT), 1).astype(jnp.float32) * float(BT)
    f_t = jnp.sum((o_ex <= tpos).astype(jnp.float32),
                  axis=0, keepdims=True) - 1.0
    l_t = jnp.sum((o_ex <= tpos + float(BT - 1)).astype(jnp.float32),
                  axis=0, keepdims=True) - 1.0
    nit = l_t - f_t + 1.0
    sit = nit
    k = 1
    while k < NT:
        sit = sit + jnp.concatenate(
            [jnp.zeros((1, k), jnp.float32), sit[:, : NT - k]], axis=1)
        k *= 2
    s_ex = sit - nit
    s_col = s_ex.T
    wit = lax.broadcasted_iota(
        jnp.int32, (NT, NCHUNK), 1).astype(jnp.float32)
    t_it = jnp.sum((s_col <= wit).astype(jnp.float32),
                   axis=0, keepdims=True) - 1.0
    oh_t = (lax.broadcasted_iota(jnp.int32, (NT, NCHUNK), 0)
            .astype(jnp.float32) == t_it).astype(jnp.float32)
    f_at = jnp.sum(f_t.T * oh_t, axis=0, keepdims=True)
    s_at = jnp.sum(s_col * oh_t, axis=0, keepdims=True)
    w_row = lax.broadcasted_iota(
        jnp.int32, (1, NCHUNK), 1).astype(jnp.float32)
    e_it = jnp.minimum(f_at + (w_row - s_at), float(E - 1))
    oh_e = (lax.broadcasted_iota(jnp.int32, (E, NCHUNK), 0)
            .astype(jnp.float32) == e_it).astype(jnp.float32)
    o_at = jnp.sum(o_ex * oh_e, axis=0, keepdims=True)
    on_at = jnp.sum(incc * oh_e, axis=0, keepdims=True)
    tb = t_it * float(BT)
    lo = jnp.maximum(o_at, tb) - tb
    hi = jnp.minimum(on_at, tb + float(BT)) - tb
    wk = jnp.concatenate([t_it, e_it, lo, hi], axis=0)
    ce_ref[...] = wk.astype(jnp.int32)

    dev = counts - float(T // E)
    s = jnp.sum(dev * dev, keepdims=True)
    loss_ref[...] = s * (0.02 / float(E - 1) / float((T // E) ** 2))


def _route(xf, w_gate):
    return pl.pallas_call(
        _route_body,
        grid=(1,),
        in_specs=[
            pl.BlockSpec((T, D // 2), lambda i: (0, 0)),
            pl.BlockSpec((T, D // 2), lambda i: (0, 1)),
            pl.BlockSpec((D, E), lambda i: (0, 0)),
        ],
        out_specs=(
            pl.BlockSpec((1, T), lambda i: (0, 0)),
            pl.BlockSpec((4, NCHUNK), lambda i: (0, 0)),
            pl.BlockSpec((1, 1), lambda i: (0, 0)),
        ),
        out_shape=(
            jax.ShapeDtypeStruct((1, T), jnp.int32),
            jax.ShapeDtypeStruct((4, NCHUNK), jnp.int32),
            jax.ShapeDtypeStruct((1, 1), jnp.float32),
        ),
    )(xf, xf, w_gate)


@functools.cache
def _sc_kernels():
    mesh = plsc.VectorSubcoreMesh(core_axis_name="c", subcore_axis_name="s")

    @functools.partial(
        pl.kernel,
        mesh=mesh,
        out_type=jax.ShapeDtypeStruct((TP, D), jnp.float32),
        scratch_types=[
            pltpu.VMEM((TPW,), jnp.int32),
            pltpu.VMEM((TPW, D), jnp.float32),
            pltpu.SemaphoreType.DMA,
        ],
    )
    def _dispatch(x_hbm, dest_hbm, xs_hbm, idx_v, rows_v, sem):
        wid = lax.axis_index("s") * NCORE + lax.axis_index("c")
        base = wid * TPW
        pltpu.sync_copy(dest_hbm.at[pl.ds(base, TPW)], idx_v)
        pltpu.sync_copy(x_hbm.at[pl.ds(base, TPW)], rows_v)
        pltpu.async_copy(rows_v, xs_hbm.at[idx_v], sem).wait()

    @functools.partial(
        pl.kernel,
        mesh=mesh,
        out_type=jax.ShapeDtypeStruct((T, O), jnp.float32),
        scratch_types=[
            pltpu.VMEM((TPW,), jnp.int32),
            *[pltpu.VMEM((TPW, OH), jnp.float32) for _ in range(NSPLIT)],
            *[pltpu.SemaphoreType.DMA for _ in range(NSPLIT)],
        ],
    )
    def _combine(*refs):
        ys_hbm = refs[:NSPLIT]
        dest_hbm, y_hbm, idx_v = refs[NSPLIT:NSPLIT + 3]
        rows = refs[NSPLIT + 3:NSPLIT + 3 + NSPLIT]
        sems = refs[NSPLIT + 3 + NSPLIT:]
        wid = lax.axis_index("s") * NCORE + lax.axis_index("c")
        base = wid * TPW
        pltpu.sync_copy(dest_hbm.at[pl.ds(base, TPW)], idx_v)
        copies = [pltpu.async_copy(ys_hbm[j].at[idx_v], rows[j], sems[j])
                  for j in range(NSPLIT)]
        for j in range(NSPLIT):
            copies[j].wait()
            pltpu.sync_copy(rows[j],
                            y_hbm.at[pl.ds(base, TPW), pl.ds(j * OH, OH)])

    return _dispatch, _combine


def _gmm_body(wk_ref, xs_ref, *refs):
    w_refs = refs[:NSPLIT]
    b_refs = refs[NSPLIT:2 * NSPLIT]
    s_refs = refs[2 * NSPLIT:3 * NSPLIT]
    out_refs = refs[3 * NSPLIT:]
    i = pl.program_id(0)
    lo = wk_ref[2, i]
    hi = wk_ref[3, i]
    riota = lax.broadcasted_iota(jnp.int32, (BT, 1), 0)
    mask = jnp.logical_and(riota >= lo, riota < hi)
    xb = xs_ref[...].astype(jnp.bfloat16)
    for j in range(NSPLIT):
        w = (w_refs[j][0] + s_refs[j][...]).astype(jnp.bfloat16)
        acc = lax.dot_general(xb, w, (((1,), (1,)), ((), ())),
                              preferred_element_type=jnp.float32)
        out_refs[j][...] = jnp.where(mask, acc + b_refs[j][0],
                                     out_refs[j][...])


def _gmm(wk, xs, expert_W, expert_b3, static_W):
    def w_spec(j):
        return pl.BlockSpec((1, OH, D), lambda i, wk, j=j: (wk[1, i], j, 0))

    def s_spec(j):
        return pl.BlockSpec((OH, D), lambda i, wk, j=j: (j, 0))

    grid_spec = pltpu.PrefetchScalarGridSpec(
        num_scalar_prefetch=1,
        grid=(NCHUNK,),
        in_specs=[
            pl.BlockSpec((BT, D), lambda i, wk: (wk[0, i], 0)),
            *[w_spec(j) for j in range(NSPLIT)],
            *[pl.BlockSpec((1, 1, OH),
                           lambda i, wk, j=j: (wk[1, i] * NSPLIT + j, 0, 0))
              for j in range(NSPLIT)],
            *[s_spec(j) for j in range(NSPLIT)],
        ],
        out_specs=tuple(
            pl.BlockSpec((BT, OH), lambda i, wk, j=j: (wk[0, i], 0))
            for j in range(NSPLIT)),
    )
    return pl.pallas_call(
        _gmm_body,
        grid_spec=grid_spec,
        out_shape=tuple(
            jax.ShapeDtypeStruct((TP, OH), jnp.float32)
            for _ in range(NSPLIT)),
    )(wk, xs, *([expert_W] * NSPLIT), *([expert_b3] * NSPLIT),
      *([static_W] * NSPLIT))


def kernel(x, w_gate, expert_W, expert_b, static_W):
    orig = x.shape[:-1]
    xf = x.reshape(-1, D)
    dest2, wk, loss2 = _route(xf, w_gate)
    dest = dest2.reshape(T)
    dispatch, combine = _sc_kernels()
    xs = dispatch(xf, dest)
    ys = _gmm(wk, xs, expert_W,
              expert_b.reshape(E * NSPLIT, 1, OH), static_W)
    y = combine(*ys, dest)
    return (y.reshape(orig + (O,)), loss2.reshape(()))

# --- scband reference (transcript-rebuilt; emitter-appended) ---
"""Pipeline reference for scband-pad-mo-e-23983097381217 (READ-ONLY COPY).

The authoritative reference and input builder live on the scoring server;
editing this copy changes nothing except your own understanding.
"""

import jax, jax.numpy as jnp
import numpy as np

K = 1

def _cv_squared(v):
    v = v.astype(jnp.float32)
    if v.shape[0] == 1:
        return jnp.zeros(())
    return jnp.var(v, ddof=1) / (jnp.mean(v) ** 2 + 1e-10)

def setup_inputs(seed: int = 0):
    key = jax.random.key(seed)
    ks = jax.random.split(key, 6)
    B, S, D, O, E = 1, 2048, 768, 768, 8
    x = jax.random.normal(ks[0], (B, S, D), dtype=jnp.float32)
    w_gate = jax.random.normal(ks[1], (D, E), dtype=jnp.float32) * 0.02
    expert_W = jax.random.normal(ks[2], (E, O, D), dtype=jnp.float32) * (1.0 / np.sqrt(D))
    expert_b = jax.random.normal(ks[3], (E, O), dtype=jnp.float32) * 0.02
    static_W = jax.random.normal(ks[4], (O, D), dtype=jnp.float32) * (1.0 / np.sqrt(D))
    return {"x": x, "w_gate": w_gate, "expert_W": expert_W, "expert_b": expert_b, "static_W": static_W}

def reference(x, w_gate, expert_W, expert_b, static_W):
    # Eval-mode PadMoE forward (noisy_gating disabled at inference: logits = clean_logits)
    orig = x.shape[:-1]
    D = x.shape[-1]
    xf = x.reshape(-1, D)
    T = xf.shape[0]
    E = w_gate.shape[1]
    clean_logits = xf @ w_gate  # [T, E]
    top_logits, top_idx = jax.lax.top_k(clean_logits, min(K + 1, E))
    top_k_logits = top_logits[:, :K]
    top_k_idx = top_idx[:, :K]
    top_k_gates = jax.nn.softmax(top_k_logits, axis=1)
    gates = jnp.zeros_like(clean_logits).at[jnp.arange(T)[:, None], top_k_idx].set(top_k_gates)
    importance = gates.sum(0)
    load = (gates > 0).sum(0)  # _gates_to_load (eval path)
    loss = (_cv_squared(importance) + _cv_squared(load)) * 0.01
    # Expert compute. Each expert applies F.linear(h, W_e + static_W, b_e);
    # SparseDispatcher dispatch/combine is mathematically equal to the dense
    # gate-weighted sum below because gates are exactly zero for unselected experts.
    h = jnp.einsum('td,eod->teo', xf, expert_W + static_W[None, :, :]) + expert_b[None, :, :]
    y = jnp.einsum('te,teo->to', gates, h)
    y = y.reshape(orig + (expert_W.shape[1],))
    return (y, loss)

if __name__ == "__main__":
    import jax
    _d = setup_inputs()
    print(jax.jit(kernel)(*tuple(_d.values())))

</pallas_src>

<mosaic_0001>
#map = affine_map<(d0, d1) -> (0, 0)>
#map1 = affine_map<(d0, d1) -> (0)>
module attributes {stable_mosaic.version = 14 : i64} {
  func.func @_combine(%arg0: i32, %arg1: i32, %arg2: memref<2048x256xf32, #tpu.memory_space<hbm>>, %arg3: memref<2048x256xf32, #tpu.memory_space<hbm>>, %arg4: memref<2048x256xf32, #tpu.memory_space<hbm>>, %arg5: memref<2048xi32, #tpu.memory_space<hbm>>, %arg6: memref<2048x768xf32, #tpu.memory_space<hbm>>, %arg7: memref<64xi32, #tpu.memory_space<vmem>>, %arg8: memref<64x256xf32, #tpu.memory_space<vmem>>, %arg9: memref<64x256xf32, #tpu.memory_space<vmem>>, %arg10: memref<64x256xf32, #tpu.memory_space<vmem>>, %arg11: memref<!tpu.dma_semaphore, #tpu.memory_space<semaphore_mem>>, %arg12: memref<!tpu.dma_semaphore, #tpu.memory_space<semaphore_mem>>, %arg13: memref<!tpu.dma_semaphore, #tpu.memory_space<semaphore_mem>>) attributes {dimension_semantics = [#tpu.dimension_semantics<core_parallel>, #tpu.dimension_semantics<subcore_parallel>], iteration_bounds = array<i64: 2, 16>, scalar_prefetch = 0 : i64, scratch_operands = 7 : i64, tpu.core_type = #tpu.core_type<sc_vector_subcore>, window_params = [{transform_indices = #map}, {transform_indices = #map}, {transform_indices = #map}, {transform_indices = #map1}, {transform_indices = #map}]} {
    %mul3A = arith.constant 2 : i32
    %mul3A_0 = arith.muli %arg1, %mul3A : i32
    %add3A = arith.addi %mul3A_0, %arg0 : i32
    %mul3A_1 = arith.constant 64 : i32
    %mul3A_2 = arith.muli %add3A, %mul3A_1 : i32
    "tpu.region"() ({
      %run_scoped3A = tpu.sem_alloc : memref<!tpu.dma_semaphore, #tpu.memory_space<semaphore_mem>>
      %dma_start3A_19 = tpu.memref_slice %arg5[%mul3A_2] : memref<2048xi32, #tpu.memory_space<hbm>> -> memref<64xi32, #tpu.memory_space<hbm>>
      %dma_start3A_20 = tpu.memref_slice %arg5[%mul3A_2] : memref<2048xi32, #tpu.memory_space<hbm>> -> memref<64xi32, #tpu.memory_space<hbm>>
      tpu.enqueue_dma source(%dma_start3A_20 : memref<64xi32, #tpu.memory_space<hbm>>) target(%arg7 : memref<64xi32, #tpu.memory_space<vmem>>) target_semaphore(%run_scoped3A : memref<!tpu.dma_semaphore, #tpu.memory_space<semaphore_mem>>)
      %dma_wait3A_21 = tpu.memref_slice %arg5[%mul3A_2] : memref<2048xi32, #tpu.memory_space<hbm>> -> memref<64xi32, #tpu.memory_space<hbm>>
      %dma_wait3A_22 = tpu.memref_slice %arg5[%mul3A_2] : memref<2048xi32, #tpu.memory_space<hbm>> -> memref<64xi32, #tpu.memory_space<hbm>>
      tpu.wait_dma2 semaphore(%run_scoped3A : memref<!tpu.dma_semaphore, #tpu.memory_space<semaphore_mem>>) src(%dma_wait3A_22 : memref<64xi32, #tpu.memory_space<hbm>>) dst(%arg7 : memref<64xi32, #tpu.memory_space<vmem>>)
      tpu.yield
    }) : () -> ()
    %dma_start3A = arith.constant 0 : i32
    %dma_start3A_3 = arith.constant 0 : i32
    %dma_start3A_4 = tpu.memref_slice %arg2[%dma_start3A, %dma_start3A_3] : memref<2048x256xf32, #tpu.memory_space<hbm>> -> memref<2048x256xf32, #tpu.memory_space<hbm>>
    tpu.enqueue_indirect_dma source(%dma_start3A_4 : memref<2048x256xf32, #tpu.memory_space<hbm>>) target(%arg8 : memref<64x256xf32, #tpu.memory_space<vmem>>) offsets(%arg7 : memref<64xi32, #tpu.memory_space<vmem>>) semaphore(%arg11 : memref<!tpu.dma_semaphore, #tpu.memory_space<semaphore_mem>>)
    %dma_start3A_5 = arith.constant 0 : i32
    %dma_start3A_6 = arith.constant 0 : i32
    %dma_start3A_7 = tpu.memref_slice %arg3[%dma_start3A_5, %dma_start3A_6] : memref<2048x256xf32, #tpu.memory_space<hbm>> -> memref<2048x256xf32, #tpu.memory_space<hbm>>
    tpu.enqueue_indirect_dma source(%dma_start3A_7 : memref<2048x256xf32, #tpu.memory_space<hbm>>) target(%arg9 : memref<64x256xf32, #tpu.memory_space<vmem>>) offsets(%arg7 : memref<64xi32, #tpu.memory_space<vmem>>) semaphore(%arg12 : memref<!tpu.dma_semaphore, #tpu.memory_space<semaphore_mem>>)
    %dma_start3A_8 = arith.constant 0 : i32
    %dma_start3A_9 = arith.constant 0 : i32
    %dma_start3A_10 = tpu.memref_slice %arg4[%dma_start3A_8, %dma_start3A_9] : memref<2048x256xf32, #tpu.memory_space<hbm>> -> memref<2048x256xf32, #tpu.memory_space<hbm>>
    tpu.enqueue_indirect_dma source(%dma_start3A_10 : memref<2048x256xf32, #tpu.memory_space<hbm>>) target(%arg10 : memref<64x256xf32, #tpu.memory_space<vmem>>) offsets(%arg7 : memref<64xi32, #tpu.memory_space<vmem>>) semaphore(%arg13 : memref<!tpu.dma_semaphore, #tpu.memory_space<semaphore_mem>>)
    %dma_wait3A = arith.constant 0 : i32
    %dma_wait3A_11 = arith.constant 0 : i32
    %dma_wait3A_12 = tpu.memref_slice %arg2[%dma_wait3A, %dma_wait3A_11] : memref<2048x256xf32, #tpu.memory_space<hbm>> -> memref<2048x256xf32, #tpu.memory_space<hbm>>
    tpu.wait_indirect_dma semaphore(%arg11 : memref<!tpu.dma_semaphore, #tpu.memory_space<semaphore_mem>>) src(%dma_wait3A_12 : memref<2048x256xf32, #tpu.memory_space<hbm>>) dst(%arg8 : memref<64x256xf32, #tpu.memory_space<vmem>>)
    "tpu.region"() ({
      %run_scoped3A = tpu.sem_alloc : memref<!tpu.dma_semaphore, #tpu.memory_space<semaphore_mem>>
      %dma_start3A_19 = arith.constant 0 : i32
      %dma_start3A_20 = tpu.memref_slice %arg6[%mul3A_2, %dma_start3A_19] : memref<2048x768xf32, #tpu.memory_space<hbm>> -> memref<64x256xf32, #tpu.memory_space<hbm>>
      %dma_start3A_21 = arith.constant 0 : i32
      %dma_start3A_22 = tpu.memref_slice %arg6[%mul3A_2, %dma_start3A_21] : memref<2048x768xf32, #tpu.memory_space<hbm>> -> memref<64x256xf32, #tpu.memory_space<hbm>>
      tpu.enqueue_dma source(%arg8 : memref<64x256xf32, #tpu.memory_space<vmem>>) target(%dma_start3A_22 : memref<64x256xf32, #tpu.memory_space<hbm>>) target_semaphore(%run_scoped3A : memref<!tpu.dma_semaphore, #tpu.memory_space<semaphore_mem>>)
      %dma_wait3A_23 = arith.constant 0 : i32
      %dma_wait3A_24 = tpu.memref_slice %arg6[%mul3A_2, %dma_wait3A_23] : memref<2048x768xf32, #tpu.memory_space<hbm>> -> memref<64x256xf32, #tpu.memory_space<hbm>>
      %dma_wait3A_25 = arith.constant 0 : i32
      %dma_wait3A_26 = tpu.memref_slice %arg6[%mul3A_2, %dma_wait3A_25] : memref<2048x768xf32, #tpu.memory_space<hbm>> -> memref<64x256xf32, #tpu.memory_space<hbm>>
      tpu.wait_dma2 semaphore(%run_scoped3A : memref<!tpu.dma_semaphore, #tpu.memory_space<semaphore_mem>>) src(%arg8 : memref<64x256xf32, #tpu.memory_space<vmem>>) dst(%dma_wait3A_26 : memref<64x256xf32, #tpu.memory_space<hbm>>)
      tpu.yield
    }) : () -> ()
    %dma_wait3A_13 = arith.constant 0 : i32
    %dma_wait3A_14 = arith.constant 0 : i32
    %dma_wait3A_15 = tpu.memref_slice %arg3[%dma_wait3A_13, %dma_wait3A_14] : memref<2048x256xf32, #tpu.memory_space<hbm>> -> memref<2048x256xf32, #tpu.memory_space<hbm>>
    tpu.wait_indirect_dma semaphore(%arg12 : memref<!tpu.dma_semaphore, #tpu.memory_space<semaphore_mem>>) src(%dma_wait3A_15 : memref<2048x256xf32, #tpu.memory_space<hbm>>) dst(%arg9 : memref<64x256xf32, #tpu.memory_space<vmem>>)
    "tpu.region"() ({
      %run_scoped3A = tpu.sem_alloc : memref<!tpu.dma_semaphore, #tpu.memory_space<semaphore_mem>>
      %dma_start3A_19 = arith.constant 256 : i32
      %dma_start3A_20 = tpu.memref_slice %arg6[%mul3A_2, %dma_start3A_19] : memref<2048x768xf32, #tpu.memory_space<hbm>> -> memref<64x256xf32, #tpu.memory_space<hbm>>
      %dma_start3A_21 = arith.constant 256 : i32
      %dma_start3A_22 = tpu.memref_slice %arg6[%mul3A_2, %dma_start3A_21] : memref<2048x768xf32, #tpu.memory_space<hbm>> -> memref<64x256xf32, #tpu.memory_space<hbm>>
      tpu.enqueue_dma source(%arg9 : memref<64x256xf32, #tpu.memory_space<vmem>>) target(%dma_start3A_22 : memref<64x256xf32, #tpu.memory_space<hbm>>) target_semaphore(%run_scoped3A : memref<!tpu.dma_semaphore, #tpu.memory_space<semaphore_mem>>)
      %dma_wait3A_23 = arith.constant 256 : i32
      %dma_wait3A_24 = tpu.memref_slice %arg6[%mul3A_2, %dma_wait3A_23] : memref<2048x768xf32, #tpu.memory_space<hbm>> -> memref<64x256xf32, #tpu.memory_space<hbm>>
      %dma_wait3A_25 = arith.constant 256 : i32
      %dma_wait3A_26 = tpu.memref_slice %arg6[%mul3A_2, %dma_wait3A_25] : memref<2048x768xf32, #tpu.memory_space<hbm>> -> memref<64x256xf32, #tpu.memory_space<hbm>>
      tpu.wait_dma2 semaphore(%run_scoped3A : memref<!tpu.dma_semaphore, #tpu.memory_space<semaphore_mem>>) src(%arg9 : memref<64x256xf32, #tpu.memory_space<vmem>>) dst(%dma_wait3A_26 : memref<64x256xf32, #tpu.memory_space<hbm>>)
      tpu.yield
    }) : () -> ()
    %dma_wait3A_16 = arith.constant 0 : i32
    %dma_wait3A_17 = arith.constant 0 : i32
    %dma_wait3A_18 = tpu.memref_slice %arg4[%dma_wait3A_16, %dma_wait3A_17] : memref<2048x256xf32, #tpu.memory_space<hbm>> -> memref<2048x256xf32, #tpu.memory_space<hbm>>
    tpu.wait_indirect_dma semaphore(%arg13 : memref<!tpu.dma_semaphore, #tpu.memory_space<semaphore_mem>>) src(%dma_wait3A_18 : memref<2048x256xf32, #tpu.memory_space<hbm>>) dst(%arg10 : memref<64x256xf32, #tpu.memory_space<vmem>>)
    "tpu.region"() ({
      %run_scoped3A = tpu.sem_alloc : memref<!tpu.dma_semaphore, #tpu.memory_space<semaphore_mem>>
      %dma_start3A_19 = arith.constant 512 : i32
      %dma_start3A_20 = tpu.memref_slice %arg6[%mul3A_2, %dma_start3A_19] : memref<2048x768xf32, #tpu.memory_space<hbm>> -> memref<64x256xf32, #tpu.memory_space<hbm>>
      %dma_start3A_21 = arith.constant 512 : i32
      %dma_start3A_22 = tpu.memref_slice %arg6[%mul3A_2, %dma_start3A_21] : memref<2048x768xf32, #tpu.memory_space<hbm>> -> memref<64x256xf32, #tpu.memory_space<hbm>>
      tpu.enqueue_dma source(%arg10 : memref<64x256xf32, #tpu.memory_space<vmem>>) target(%dma_start3A_22 : memref<64x256xf32, #tpu.memory_space<hbm>>) target_semaphore(%run_scoped3A : memref<!tpu.dma_semaphore, #tpu.memory_space<semaphore_mem>>)
      %dma_wait3A_23 = arith.constant 512 : i32
      %dma_wait3A_24 = tpu.memref_slice %arg6[%mul3A_2, %dma_wait3A_23] : memref<2048x768xf32, #tpu.memory_space<hbm>> -> memref<64x256xf32, #tpu.memory_space<hbm>>
      %dma_wait3A_25 = arith.constant 512 : i32
      %dma_wait3A_26 = tpu.memref_slice %arg6[%mul3A_2, %dma_wait3A_25] : memref<2048x768xf32, #tpu.memory_space<hbm>> -> memref<64x256xf32, #tpu.memory_space<hbm>>
      tpu.wait_dma2 semaphore(%run_scoped3A : memref<!tpu.dma_semaphore, #tpu.memory_space<semaphore_mem>>) src(%arg10 : memref<64x256xf32, #tpu.memory_space<vmem>>) dst(%dma_wait3A_26 : memref<64x256xf32, #tpu.memory_space<hbm>>)
      tpu.yield
    }) : () -> ()
    return
  }
}

#map = affine_map<(d0, d1) -> (0, 0)>
#map1 = affine_map<(d0, d1) -> (0)>
module attributes {stable_mosaic.version = 14 : i64} {
  func.func @_dispatch(%arg0: i32, %arg1: i32, %arg2: memref<2048x768xf32, #tpu.memory_space<hbm>>, %arg3: memref<2048xi32, #tpu.memory_space<hbm>>, %arg4: memref<2048x768xf32, #tpu.memory_space<hbm>>, %arg5: memref<64xi32, #tpu.memory_space<vmem>>, %arg6: memref<64x768xf32, #tpu.memory_space<vmem>>, %arg7: memref<!tpu.dma_semaphore, #tpu.memory_space<semaphore_mem>>) attributes {dimension_semantics = [#tpu.dimension_semantics<core_parallel>, #tpu.dimension_semantics<subcore_parallel>], iteration_bounds = array<i64: 2, 16>, scalar_prefetch = 0 : i64, scratch_operands = 3 : i64, tpu.core_type = #tpu.core_type<sc_vector_subcore>, window_params = [{transform_indices = #map}, {transform_indices = #map1}, {transform_indices = #map}]} {
    %mul3A = arith.constant 2 : i32
    %mul3A_0 = arith.muli %arg1, %mul3A : i32
    %add3A = arith.addi %mul3A_0, %arg0 : i32
    %mul3A_1 = arith.constant 64 : i32
    %mul3A_2 = arith.muli %add3A, %mul3A_1 : i32
    "tpu.region"() ({
      %run_scoped3A = tpu.sem_alloc : memref<!tpu.dma_semaphore, #tpu.memory_space<semaphore_mem>>
      %dma_start3A_7 = tpu.memref_slice %arg3[%mul3A_2] : memref<2048xi32, #tpu.memory_space<hbm>> -> memref<64xi32, #tpu.memory_space<hbm>>
      %dma_start3A_8 = tpu.memref_slice %arg3[%mul3A_2] : memref<2048xi32, #tpu.memory_space<hbm>> -> memref<64xi32, #tpu.memory_space<hbm>>
      tpu.enqueue_dma source(%dma_start3A_8 : memref<64xi32, #tpu.memory_space<hbm>>) target(%arg5 : memref<64xi32, #tpu.memory_space<vmem>>) target_semaphore(%run_scoped3A : memref<!tpu.dma_semaphore, #tpu.memory_space<semaphore_mem>>)
      %dma_wait3A_9 = tpu.memref_slice %arg3[%mul3A_2] : memref<2048xi32, #tpu.memory_space<hbm>> -> memref<64xi32, #tpu.memory_space<hbm>>
      %dma_wait3A_10 = tpu.memref_slice %arg3[%mul3A_2] : memref<2048xi32, #tpu.memory_space<hbm>> -> memref<64xi32, #tpu.memory_space<hbm>>
      tpu.wait_dma2 semaphore(%run_scoped3A : memref<!tpu.dma_semaphore, #tpu.memory_space<semaphore_mem>>) src(%dma_wait3A_10 : memref<64xi32, #tpu.memory_space<hbm>>) dst(%arg5 : memref<64xi32, #tpu.memory_space<vmem>>)
      tpu.yield
    }) : () -> ()
    "tpu.region"() ({
      %run_scoped3A = tpu.sem_alloc : memref<!tpu.dma_semaphore, #tpu.memory_space<semaphore_mem>>
      %dma_start3A_7 = arith.constant 0 : i32
      %dma_start3A_8 = tpu.memref_slice %arg2[%mul3A_2, %dma_start3A_7] : memref<2048x768xf32, #tpu.memory_space<hbm>> -> memref<64x768xf32, #tpu.memory_space<hbm>>
      %dma_start3A_9 = arith.constant 0 : i32
      %dma_start3A_10 = tpu.memref_slice %arg2[%mul3A_2, %dma_start3A_9] : memref<2048x768xf32, #tpu.memory_space<hbm>> -> memref<64x768xf32, #tpu.memory_space<hbm>>
      tpu.enqueue_dma source(%dma_start3A_10 : memref<64x768xf32, #tpu.memory_space<hbm>>) target(%arg6 : memref<64x768xf32, #tpu.memory_space<vmem>>) target_semaphore(%run_scoped3A : memref<!tpu.dma_semaphore, #tpu.memory_space<semaphore_mem>>)
      %dma_wait3A_11 = arith.constant 0 : i32
      %dma_wait3A_12 = tpu.memref_slice %arg2[%mul3A_2, %dma_wait3A_11] : memref<2048x768xf32, #tpu.memory_space<hbm>> -> memref<64x768xf32, #tpu.memory_space<hbm>>
      %dma_wait3A_13 = arith.constant 0 : i32
      %dma_wait3A_14 = tpu.memref_slice %arg2[%mul3A_2, %dma_wait3A_13] : memref<2048x768xf32, #tpu.memory_space<hbm>> -> memref<64x768xf32, #tpu.memory_space<hbm>>
      tpu.wait_dma2 semaphore(%run_scoped3A : memref<!tpu.dma_semaphore, #tpu.memory_space<semaphore_mem>>) src(%dma_wait3A_14 : memref<64x768xf32, #tpu.memory_space<hbm>>) dst(%arg6 : memref<64x768xf32, #tpu.memory_space<vmem>>)
      tpu.yield
    }) : () -> ()
    %dma_start3A = arith.constant 0 : i32
    %dma_start3A_3 = arith.constant 0 : i32
    %dma_start3A_4 = tpu.memref_slice %arg4[%dma_start3A, %dma_start3A_3] : memref<2048x768xf32, #tpu.memory_space<hbm>> -> memref<2048x768xf32, #tpu.memory_space<hbm>>
    tpu.enqueue_indirect_dma source(%arg6 : memref<64x768xf32, #tpu.memory_space<vmem>>) target(%dma_start3A_4 : memref<2048x768xf32, #tpu.memory_space<hbm>>) offsets(%arg5 : memref<64xi32, #tpu.memory_space<vmem>>) semaphore(%arg7 : memref<!tpu.dma_semaphore, #tpu.memory_space<semaphore_mem>>)
    %dma_wait3A = arith.constant 0 : i32
    %dma_wait3A_5 = arith.constant 0 : i32
    %dma_wait3A_6 = tpu.memref_slice %arg4[%dma_wait3A, %dma_wait3A_5] : memref<2048x768xf32, #tpu.memory_space<hbm>> -> memref<2048x768xf32, #tpu.memory_space<hbm>>
    tpu.wait_indirect_dma semaphore(%arg7 : memref<!tpu.dma_semaphore, #tpu.memory_space<semaphore_mem>>) src(%arg6 : memref<64x768xf32, #tpu.memory_space<vmem>>) dst(%dma_wait3A_6 : memref<2048x768xf32, #tpu.memory_space<hbm>>)
    return
  }
}

module attributes {stable_mosaic.version = 14 : i64} {
  func.func @_gmm_body(%arg0: i32, %arg1: memref<4x15xi32, #tpu.memory_space<smem>>, %arg2: memref<256x768xf32, #tpu.memory_space<vmem>>, %arg3: memref<1x256x768xf32, #tpu.memory_space<vmem>>, %arg4: memref<1x256x768xf32, #tpu.memory_space<vmem>>, %arg5: memref<1x256x768xf32, #tpu.memory_space<vmem>>, %arg6: memref<1x1x256xf32, #tpu.memory_space<vmem>>, %arg7: memref<1x1x256xf32, #tpu.memory_space<vmem>>, %arg8: memref<1x1x256xf32, #tpu.memory_space<vmem>>, %arg9: memref<256x768xf32, #tpu.memory_space<vmem>>, %arg10: memref<256x768xf32, #tpu.memory_space<vmem>>, %arg11: memref<256x768xf32, #tpu.memory_space<vmem>>, %arg12: memref<256x256xf32, #tpu.memory_space<vmem>>, %arg13: memref<256x256xf32, #tpu.memory_space<vmem>>, %arg14: memref<256x256xf32, #tpu.memory_space<vmem>>) attributes {dimension_semantics = [#tpu.dimension_semantics<arbitrary>], iteration_bounds = array<i64: 15>, scalar_prefetch = 1 : i64, scratch_operands = 0 : i64, tpu.core_type = #tpu.core_type<tc>, window_params = [{transform_indices = @transform_0, window_bounds = array<i64: 256, 768>}, {transform_indices = @transform_1, window_bounds = array<i64: 1, 256, 768>}, {transform_indices = @transform_2, window_bounds = array<i64: 1, 256, 768>}, {transform_indices = @transform_3, window_bounds = array<i64: 1, 256, 768>}, {transform_indices = @transform_4, window_bounds = array<i64: 1, 1, 256>}, {transform_indices = @transform_5, window_bounds = array<i64: 1, 1, 256>}, {transform_indices = @transform_6, window_bounds = array<i64: 1, 1, 256>}, {transform_indices = @transform_7, window_bounds = array<i64: 256, 768>}, {transform_indices = @transform_8, window_bounds = array<i64: 256, 768>}, {transform_indices = @transform_9, window_bounds = array<i64: 256, 768>}, {transform_indices = @transform_10, window_bounds = array<i64: 256, 256>}, {transform_indices = @transform_11, window_bounds = array<i64: 256, 256>}, {transform_indices = @transform_12, window_bounds = array<i64: 256, 256>}]} {
    %get3A = arith.constant 2 : index
    %get3A_0 = arith.index_cast %arg0 : i32 to index
    %get3A_1 = memref.load %arg1[%get3A, %get3A_0] : memref<4x15xi32, #tpu.memory_space<smem>>
    %get3A_2 = arith.constant 3 : index
    %get3A_3 = arith.index_cast %arg0 : i32 to index
    %get3A_4 = memref.load %arg1[%get3A_2, %get3A_3] : memref<4x15xi32, #tpu.memory_space<smem>>
    %iota3A = tpu.iota {dimensions = array<i32: 0>} : vector<256x1xi32>
    %ge3A = vector.broadcast %get3A_1 : i32 to vector<256x1xi32>
    %ge3A_5 = arith.cmpi sge, %iota3A, %ge3A : vector<256x1xi32>
    %lt3A = vector.broadcast %get3A_4 : i32 to vector<256x1xi32>
    %lt3A_6 = arith.cmpi slt, %iota3A, %lt3A : vector<256x1xi32>
    %and3A = arith.andi %ge3A_5, %lt3A_6 : vector<256x1xi1>
    %get3A_7 = arith.constant 0 : index
    %get3A_8 = arith.constant 0 : index
    %get3A_9 = vector.load %arg2[%get3A_7, %get3A_8] : memref<256x768xf32, #tpu.memory_space<vmem>>, vector<256x768xf32>
    %convert_element_type3A = arith.truncf %get3A_9 : vector<256x768xf32> to vector<256x768xbf16>
    %get3A_10 = arith.constant 0 : index
    %get3A_11 = arith.constant 0 : index
    %get3A_12 = arith.constant 0 : index
    %get3A_13 = vector.load %arg3[%get3A_10, %get3A_11, %get3A_12] : memref<1x256x768xf32, #tpu.memory_space<vmem>>, vector<1x256x768xf32>
    %get3A_14 = vector.shape_cast %get3A_13 : vector<1x256x768xf32> to vector<256x768xf32>
    %get3A_15 = arith.constant 0 : index
    %get3A_16 = arith.constant 0 : index
    %get3A_17 = vector.load %arg9[%get3A_15, %get3A_16] : memref<256x768xf32, #tpu.memory_space<vmem>>, vector<256x768xf32>
    %add3A = arith.addf %get3A_14, %get3A_17 : vector<256x768xf32>
    %convert_element_type3A_18 = arith.truncf %add3A : vector<256x768xf32> to vector<256x768xbf16>
    %dot_general3A = arith.constant dense<0.000000e+00> : vector<256x256xf32>
    %dot_general3A_19 = tpu.matmul %convert_element_type3A, %convert_element_type3A_18, %dot_general3A {dimension_numbers = #tpu.dot_dimension_numbers<[1], [1], [0], [0], [0, 0, 1, 0], [], []>, transpose_lhs_hint = false} : vector<256x768xbf16>, vector<256x768xbf16>, vector<256x256xf32> -> vector<256x256xf32>
    %get3A_20 = arith.constant 0 : index
    %get3A_21 = arith.constant 0 : index
    %get3A_22 = arith.constant 0 : index
    %get3A_23 = vector.load %arg6[%get3A_20, %get3A_21, %get3A_22] : memref<1x1x256xf32, #tpu.memory_space<vmem>>, vector<1x1x256xf32>
    %get3A_24 = vector.shape_cast %get3A_23 : vector<1x1x256xf32> to vector<1x256xf32>
    %add3A_25 = vector.broadcast %get3A_24 : vector<1x256xf32> to vector<256x256xf32>
    %add3A_26 = arith.addf %dot_general3A_19, %add3A_25 : vector<256x256xf32>
    %get3A_27 = arith.constant 0 : index
    %get3A_28 = arith.constant 0 : index
    %get3A_29 = vector.load %arg12[%get3A_27, %get3A_28] : memref<256x256xf32, #tpu.memory_space<vmem>>, vector<256x256xf32>
    %broadcast_in_dim3A = vector.shape_cast %and3A : vector<256x1xi1> to vector<256x1xi1>
    %broadcast_in_dim3A_30 = vector.broadcast %broadcast_in_dim3A : vector<256x1xi1> to vector<256x256xi1>
    %select_n3A = arith.select %broadcast_in_dim3A_30, %add3A_26, %get3A_29 : vector<256x256xi1>, vector<256x256xf32>
    %swap3A = arith.constant 0 : index
    %swap3A_31 = arith.constant 0 : index
    %swap3A_32 = vector.load %arg12[%swap3A, %swap3A_31] : memref<256x256xf32, #tpu.memory_space<vmem>>, vector<256x256xf32>
    tpu.vector_store %arg12[%swap3A, %swap3A_31], %select_n3A {strides = array<i32>} : memref<256x256xf32, #tpu.memory_space<vmem>>, vector<256x256xf32>,
    %get3A_33 = arith.constant 0 : index
    %get3A_34 = arith.constant 0 : index
    %get3A_35 = arith.constant 0 : index
    %get3A_36 = vector.load %arg4[%get3A_33, %get3A_34, %get3A_35] : memref<1x256x768xf32, #tpu.memory_space<vmem>>, vector<1x256x768xf32>
    %get3A_37 = vector.shape_cast %get3A_36 : vector<1x256x768xf32> to vector<256x768xf32>
    %get3A_38 = arith.constant 0 : index
    %get3A_39 = arith.constant 0 : index
    %get3A_40 = vector.load %arg10[%get3A_38, %get3A_39] : memref<256x768xf32, #tpu.memory_space<vmem>>, vector<256x768xf32>
    %add3A_41 = arith.addf %get3A_37, %get3A_40 : vector<256x768xf32>
    %convert_element_type3A_42 = arith.truncf %add3A_41 : vector<256x768xf32> to vector<256x768xbf16>
    %dot_general3A_43 = arith.constant dense<0.000000e+00> : vector<256x256xf32>
    %dot_general3A_44 = tpu.matmul %convert_element_type3A, %convert_element_type3A_42, %dot_general3A_43 {dimension_numbers = #tpu.dot_dimension_numbers<[1], [1], [0], [0], [0, 0, 1, 0], [], []>, transpose_lhs_hint = false} : vector<256x768xbf16>, vector<256x768xbf16>, vector<256x256xf32> -> vector<256x256xf32>
    %get3A_45 = arith.constant 0 : index
    %get3A_46 = arith.constant 0 : index
    %get3A_47 = arith.constant 0 : index
    %get3A_48 = vector.load %arg7[%get3A_45, %get3A_46, %get3A_47] : memref<1x1x256xf32, #tpu.memory_space<vmem>>, vector<1x1x256xf32>
    %get3A_49 = vector.shape_cast %get3A_48 : vector<1x1x256xf32> to vector<1x256xf32>
    %add3A_50 = vector.broadcast %get3A_49 : vector<1x256xf32> to vector<256x256xf32>
    %add3A_51 = arith.addf %dot_general3A_44, %add3A_50 : vector<256x256xf32>
    %get3A_52 = arith.constant 0 : index
    %get3A_53 = arith.constant 0 : index
    %get3A_54 = vector.load %arg13[%get3A_52, %get3A_53] : memref<256x256xf32, #tpu.memory_space<vmem>>, vector<256x256xf32>
    %broadcast_in_dim3A_55 = vector.shape_cast %and3A : vector<256x1xi1> to vector<256x1xi1>
    %broadcast_in_dim3A_56 = vector.broadcast %broadcast_in_dim3A_55 : vector<256x1xi1> to vector<256x256xi1>
    %select_n3A_57 = arith.select %broadcast_in_dim3A_56, %add3A_51, %get3A_54 : vector<256x256xi1>, vector<256x256xf32>
    %swap3A_58 = arith.constant 0 : index
    %swap3A_59 = arith.constant 0 : index
    %swap3A_60 = vector.load %arg13[%swap3A_58, %swap3A_59] : memref<256x256xf32, #tpu.memory_space<vmem>>, vector<256x256xf32>
    tpu.vector_store %arg13[%swap3A_58, %swap3A_59], %select_n3A_57 {strides = array<i32>} : memref<256x256xf32, #tpu.memory_space<vmem>>, vector<256x256xf32>,
    %get3A_61 = arith.constant 0 : index
    %get3A_62 = arith.constant 0 : index
    %get3A_63 = arith.constant 0 : index
    %get3A_64 = vector.load %arg5[%get3A_61, %get3A_62, %get3A_63] : memref<1x256x768xf32, #tpu.memory_space<vmem>>, vector<1x256x768xf32>
    %get3A_65 = vector.shape_cast %get3A_64 : vector<1x256x768xf32> to vector<256x768xf32>
    %get3A_66 = arith.constant 0 : index
    %get3A_67 = arith.constant 0 : index
    %get3A_68 = vector.load %arg11[%get3A_66, %get3A_67] : memref<256x768xf32, #tpu.memory_space<vmem>>, vector<256x768xf32>
    %add3A_69 = arith.addf %get3A_65, %get3A_68 : vector<256x768xf32>
    %convert_element_type3A_70 = arith.truncf %add3A_69 : vector<256x768xf32> to vector<256x768xbf16>
    %dot_general3A_71 = arith.constant dense<0.000000e+00> : vector<256x256xf32>
    %dot_general3A_72 = tpu.matmul %convert_element_type3A, %convert_element_type3A_70, %dot_general3A_71 {dimension_numbers = #tpu.dot_dimension_numbers<[1], [1], [0], [0], [0, 0, 1, 0], [], []>, transpose_lhs_hint = false} : vector<256x768xbf16>, vector<256x768xbf16>, vector<256x256xf32> -> vector<256x256xf32>
    %get3A_73 = arith.constant 0 : index
    %get3A_74 = arith.constant 0 : index
    %get3A_75 = arith.constant 0 : index
    %get3A_76 = vector.load %arg8[%get3A_73, %get3A_74, %get3A_75] : memref<1x1x256xf32, #tpu.memory_space<vmem>>, vector<1x1x256xf32>
    %get3A_77 = vector.shape_cast %get3A_76 : vector<1x1x256xf32> to vector<1x256xf32>
    %add3A_78 = vector.broadcast %get3A_77 : vector<1x256xf32> to vector<256x256xf32>
    %add3A_79 = arith.addf %dot_general3A_72, %add3A_78 : vector<256x256xf32>
    %get3A_80 = arith.constant 0 : index
    %get3A_81 = arith.constant 0 : index
    %get3A_82 = vector.load %arg14[%get3A_80, %get3A_81] : memref<256x256xf32, #tpu.memory_space<vmem>>, vector<256x256xf32>
    %broadcast_in_dim3A_83 = vector.shape_cast %and3A : vector<256x1xi1> to vector<256x1xi1>
    %broadcast_in_dim3A_84 = vector.broadcast %broadcast_in_dim3A_83 : vector<256x1xi1> to vector<256x256xi1>
    %select_n3A_85 = arith.select %broadcast_in_dim3A_84, %add3A_79, %get3A_82 : vector<256x256xi1>, vector<256x256xf32>
    %swap3A_86 = arith.constant 0 : index
    %swap3A_87 = arith.constant 0 : index
    %swap3A_88 = vector.load %arg14[%swap3A_86, %swap3A_87] : memref<256x256xf32, #tpu.memory_space<vmem>>, vector<256x256xf32>
    tpu.vector_store %arg14[%swap3A_86, %swap3A_87], %select_n3A_85 {strides = array<i32>} : memref<256x256xf32, #tpu.memory_space<vmem>>, vector<256x256xf32>,
    return
  }
  func.func @transform_0(%arg0: i32, %arg1: memref<4x15xi32, #tpu.memory_space<smem>>) -> (i32, i32) {
    %get3A = arith.constant 0 : index
    %get3A_0 = arith.index_cast %arg0 : i32 to index
    %get3A_1 = memref.load %arg1[%get3A, %get3A_0] : memref<4x15xi32, #tpu.memory_space<smem>>
    %c0_i32 = arith.constant 0 : i32
    %c0_i32_2 = arith.constant 0 : i32
    return %get3A_1, %c0_i32 : i32, i32
  }
  func.func @transform_1(%arg0: i32, %arg1: memref<4x15xi32, #tpu.memory_space<smem>>) -> (i32, i32, i32) {
    %get3A = arith.constant 1 : index
    %get3A_0 = arith.index_cast %arg0 : i32 to index
    %get3A_1 = memref.load %arg1[%get3A, %get3A_0] : memref<4x15xi32, #tpu.memory_space<smem>>
    %c0_i32 = arith.constant 0 : i32
    %c0_i32_2 = arith.constant 0 : i32
    %c0_i32_3 = arith.constant 0 : i32
    return %get3A_1, %c0_i32, %c0_i32_2 : i32, i32, i32
  }
  func.func @transform_2(%arg0: i32, %arg1: memref<4x15xi32, #tpu.memory_space<smem>>) -> (i32, i32, i32) {
    %get3A = arith.constant 1 : index
    %get3A_0 = arith.index_cast %arg0 : i32 to index
    %get3A_1 = memref.load %arg1[%get3A, %get3A_0] : memref<4x15xi32, #tpu.memory_space<smem>>
    %c1_i32 = arith.constant 1 : i32
    %c0_i32 = arith.constant 0 : i32
    %c0_i32_2 = arith.constant 0 : i32
    return %get3A_1, %c1_i32, %c0_i32 : i32, i32, i32
  }
  func.func @transform_3(%arg0: i32, %arg1: memref<4x15xi32, #tpu.memory_space<smem>>) -> (i32, i32, i32) {
    %get3A = arith.constant 1 : index
    %get3A_0 = arith.index_cast %arg0 : i32 to index
    %get3A_1 = memref.load %arg1[%get3A, %get3A_0] : memref<4x15xi32, #tpu.memory_space<smem>>
    %c2_i32 = arith.constant 2 : i32
    %c0_i32 = arith.constant 0 : i32
    %c0_i32_2 = arith.constant 0 : i32
    return %get3A_1, %c2_i32, %c0_i32 : i32, i32, i32
  }
  func.func @transform_4(%arg0: i32, %arg1: memref<4x15xi32, #tpu.memory_space<smem>>) -> (i32, i32, i32) {
    %get3A = arith.constant 1 : index
    %get3A_0 = arith.index_cast %arg0 : i32 to index
    %get3A_1 = memref.load %arg1[%get3A, %get3A_0] : memref<4x15xi32, #tpu.memory_space<smem>>
    %mul3A = arith.constant 3 : i32
    %mul3A_2 = arith.muli %get3A_1, %mul3A : i32
    %add3A = arith.constant 0 : i32
    %add3A_3 = arith.addi %mul3A_2, %add3A : i32
    %c0_i32 = arith.constant 0 : i32
    %c0_i32_4 = arith.constant 0 : i32
    %c0_i32_5 = arith.constant 0 : i32
    return %add3A_3, %c0_i32, %c0_i32_4 : i32, i32, i32
  }
  func.func @transform_5(%arg0: i32, %arg1: memref<4x15xi32, #tpu.memory_space<smem>>) -> (i32, i32, i32) {
    %get3A = arith.constant 1 : index
    %get3A_0 = arith.index_cast %arg0 : i32 to index
    %get3A_1 = memref.load %arg1[%get3A, %get3A_0] : memref<4x15xi32, #tpu.memory_space<smem>>
    %mul3A = arith.constant 3 : i32
    %mul3A_2 = arith.muli %get3A_1, %mul3A : i32
    %add3A = arith.constant 1 : i32
    %add3A_3 = arith.addi %mul3A_2, %add3A : i32
    %c0_i32 = arith.constant 0 : i32
    %c0_i32_4 = arith.constant 0 : i32
    %c0_i32_5 = arith.constant 0 : i32
    return %add3A_3, %c0_i32, %c0_i32_4 : i32, i32, i32
  }
  func.func @transform_6(%arg0: i32, %arg1: memref<4x15xi32, #tpu.memory_space<smem>>) -> (i32, i32, i32) {
    %get3A = arith.constant 1 : index
    %get3A_0 = arith.index_cast %arg0 : i32 to index
    %get3A_1 = memref.load %arg1[%get3A, %get3A_0] : memref<4x15xi32, #tpu.memory_space<smem>>
    %mul3A = arith.constant 3 : i32
    %mul3A_2 = arith.muli %get3A_1, %mul3A : i32
    %add3A = arith.constant 2 : i32
    %add3A_3 = arith.addi %mul3A_2, %add3A : i32
    %c0_i32 = arith.constant 0 : i32
    %c0_i32_4 = arith.constant 0 : i32
    %c0_i32_5 = arith.constant 0 : i32
    return %add3A_3, %c0_i32, %c0_i32_4 : i32, i32, i32
  }
  func.func @transform_7(%arg0: i32, %arg1: memref<4x15xi32, #tpu.memory_space<smem>>) -> (i32, i32) {
    %c0_i32 = arith.constant 0 : i32
    %c0_i32_0 = arith.constant 0 : i32
    %c0_i32_1 = arith.constant 0 : i32
    return %c0_i32, %c0_i32_0 : i32, i32
  }
  func.func @transform_8(%arg0: i32, %arg1: memref<4x15xi32, #tpu.memory_space<smem>>) -> (i32, i32) {
    %c1_i32 = arith.constant 1 : i32
    %c0_i32 = arith.constant 0 : i32
    %c0_i32_0 = arith.constant 0 : i32
    return %c1_i32, %c0_i32 : i32, i32
  }
  func.func @transform_9(%arg0: i32, %arg1: memref<4x15xi32, #tpu.memory_space<smem>>) -> (i32, i32) {
    %c2_i32 = arith.constant 2 : i32
    %c0_i32 = arith.constant 0 : i32
    %c0_i32_0 = arith.constant 0 : i32
    return %c2_i32, %c0_i32 : i32, i32
  }
  func.func @transform_10(%arg0: i32, %arg1: memref<4x15xi32, #tpu.memory_space<smem>>) -> (i32, i32) {
    %get3A = arith.constant 0 : index
    %get3A_0 = arith.index_cast %arg0 : i32 to index
    %get3A_1 = memref.load %arg1[%get3A, %get3A_0] : memref<4x15xi32, #tpu.memory_space<smem>>
    %c0_i32 = arith.constant 0 : i32
    %c0_i32_2 = arith.constant 0 : i32
    return %get3A_1, %c0_i32 : i32, i32
  }
  func.func @transform_11(%arg0: i32, %arg1: memref<4x15xi32, #tpu.memory_space<smem>>) -> (i32, i32) {
    %get3A = arith.constant 0 : index
    %get3A_0 = arith.index_cast %arg0 : i32 to index
    %get3A_1 = memref.load %arg1[%get3A, %get3A_0] : memref<4x15xi32, #tpu.memory_space<smem>>
    %c0_i32 = arith.constant 0 : i32
    %c0_i32_2 = arith.constant 0 : i32
    return %get3A_1, %c0_i32 : i32, i32
  }
  func.func @transform_12(%arg0: i32, %arg1: memref<4x15xi32, #tpu.memory_space<smem>>) -> (i32, i32) {
    %get3A = arith.constant 0 : index
    %get3A_0 = arith.index_cast %arg0 : i32 to index
    %get3A_1 = memref.load %arg1[%get3A, %get3A_0] : memref<4x15xi32, #tpu.memory_space<smem>>
    %c0_i32 = arith.constant 0 : i32
    %c0_i32_2 = arith.constant 0 : i32
    return %get3A_1, %c0_i32 : i32, i32
  }
}

module attributes {stable_mosaic.version = 14 : i64} {
  func.func @_route_body(%arg0: i32, %arg1: memref<2048x384xf32, #tpu.memory_space<vmem>>, %arg2: memref<2048x384xf32, #tpu.memory_space<vmem>>, %arg3: memref<768x8xf32, #tpu.memory_space<vmem>>, %arg4: memref<1x2048xi32, #tpu.memory_space<vmem>>, %arg5: memref<4x15xi32, #tpu.memory_space<vmem>>, %arg6: memref<1x1xf32, #tpu.memory_space<vmem>>) attributes {dimension_semantics = [#tpu.dimension_semantics<arbitrary>], iteration_bounds = array<i64: 1>, scalar_prefetch = 0 : i64, scratch_operands = 0 : i64, tpu.core_type = #tpu.core_type<tc>, window_params = [{transform_indices = @transform_0, window_bounds = array<i64: 2048, 384>}, {transform_indices = @transform_1, window_bounds = array<i64: 2048, 384>}, {pipeline_mode = #tpu.pipeline_mode<synchronous>, transform_indices = @transform_2, window_bounds = array<i64: 768, 8>}, {pipeline_mode = #tpu.pipeline_mode<synchronous>, transform_indices = @transform_3, window_bounds = array<i64: 1, 2048>}, {pipeline_mode = #tpu.pipeline_mode<synchronous>, transform_indices = @transform_4, window_bounds = array<i64: 4, 15>}, {pipeline_mode = #tpu.pipeline_mode<synchronous>, transform_indices = @transform_5, window_bounds = array<i64: 1, 1>}]} {
    %get3A = arith.constant 0 : index
    %get3A_0 = arith.constant 0 : index
    %get3A_1 = vector.load %arg1[%get3A, %get3A_0] : memref<2048x384xf32, #tpu.memory_space<vmem>>, vector<2048x384xf32>
    %get3A_2 = arith.constant 0 : index
    %get3A_3 = arith.constant 0 : index
    %get3A_4 = vector.load %arg2[%get3A_2, %get3A_3] : memref<2048x384xf32, #tpu.memory_space<vmem>>, vector<2048x384xf32>
    %concatenate3A = tpu.concatenate %get3A_1, %get3A_4 in 1 : vector<2048x384xf32>, vector<2048x384xf32> -> vector<2048x768xf32>
    %get3A_5 = arith.constant 0 : index
    %get3A_6 = arith.constant 0 : index
    %get3A_7 = vector.load %arg3[%get3A_5, %get3A_6] : memref<768x8xf32, #tpu.memory_space<vmem>>, vector<768x8xf32>
    %dot_general3A = arith.constant dense<0.000000e+00> : vector<2048x8xf32>
    %dot_general3A_8 = tpu.matmul %concatenate3A, %get3A_7, %dot_general3A {dimension_numbers = #tpu.dot_dimension_numbers<[1], [0], [0], [1], [0, 0, 1, 1], [], []>, transpose_lhs_hint = false} : vector<2048x768xf32>, vector<768x8xf32>, vector<2048x8xf32> -> vector<2048x8xf32>
    %transpose3A = tpu.transpose %dot_general3A_8, [1, 0] : vector<2048x8xf32> -> vector<8x2048xf32>
    %reduce_max3A = arith.constant dense<0xFF800000> : vector<2048xf32>
    %reduce_max3A_9 = vector.multi_reduction <maximumf>, %transpose3A, %reduce_max3A [0] : vector<8x2048xf32> to vector<2048xf32>
    %broadcast_in_dim3A = vector.shape_cast %reduce_max3A_9 : vector<2048xf32> to vector<1x2048xf32>
    %iota3A = tpu.iota {dimensions = array<i32: 0>} : vector<8x2048xi32>
    %eq3A = vector.broadcast %broadcast_in_dim3A : vector<1x2048xf32> to vector<8x2048xf32>
    %eq3A_10 = arith.cmpf oeq, %transpose3A, %eq3A : vector<8x2048xf32>
    %jit3A = arith.constant 8 : i32
    %broadcast_in_dim3A_11 = vector.broadcast %jit3A : i32 to vector<8x2048xi32>
    %select_n3A = arith.select %eq3A_10, %iota3A, %broadcast_in_dim3A_11 : vector<8x2048xi1>, vector<8x2048xi32>
    %reduce_min3A = arith.constant dense<2147483647> : vector<2048xi32>
    %reduce_min3A_12 = vector.multi_reduction <minsi>, %select_n3A, %reduce_min3A [0] : vector<8x2048xi32> to vector<2048xi32>
    %broadcast_in_dim3A_13 = vector.shape_cast %reduce_min3A_12 : vector<2048xi32> to vector<1x2048xi32>
    %eq3A_14 = vector.broadcast %broadcast_in_dim3A_13 : vector<1x2048xi32> to vector<8x2048xi32>
    %eq3A_15 = arith.cmpi eq, %iota3A, %eq3A_14 : vector<8x2048xi32>
    %convert_element_type3A = arith.extui %eq3A_15 : vector<8x2048xi1> to vector<8x2048xi32>
    %convert_element_type3A_16 = arith.sitofp %convert_element_type3A : vector<8x2048xi32> to vector<8x2048xf32>
    %reduce_sum3A = arith.constant dense<0.000000e+00> : vector<8xf32>
    %reduce_sum3A_17 = vector.multi_reduction <add>, %convert_element_type3A_16, %reduce_sum3A [1] : vector<8x2048xf32> to vector<8xf32>
    %broadcast_in_dim3A_18 = vector.shape_cast %reduce_sum3A_17 : vector<8xf32> to vector<8x1xf32>
    %broadcast_in_dim3A_19 = arith.constant 0.000000e+00 : f32
    %broadcast_in_dim3A_20 = vector.broadcast %broadcast_in_dim3A_19 : f32 to vector<8x1xf32>
    %slice3A = vector.extract_strided_slice %convert_element_type3A_16 {offsets = [0, 0], sizes = [8, 2047], strides = [1, 1]} : vector<8x2048xf32> to vector<8x2047xf32>
    %concatenate3A_21 = tpu.concatenate %broadcast_in_dim3A_20, %slice3A in 1 : vector<8x1xf32>, vector<8x2047xf32> -> vector<8x2048xf32>
    %add3A = arith.addf %convert_element_type3A_16, %concatenate3A_21 : vector<8x2048xf32>
    %broadcast_in_dim3A_22 = arith.constant 0.000000e+00 : f32
    %broadcast_in_dim3A_23 = vector.broadcast %broadcast_in_dim3A_22 : f32 to vector<8x2xf32>
    %slice3A_24 = vector.extract_strided_slice %add3A {offsets = [0, 0], sizes = [8, 2046], strides = [1, 1]} : vector<8x2048xf32> to vector<8x2046xf32>
    %concatenate3A_25 = tpu.concatenate %broadcast_in_dim3A_23, %slice3A_24 in 1 : vector<8x2xf32>, vector<8x2046xf32> -> vector<8x2048xf32>
    %add3A_26 = arith.addf %add3A, %concatenate3A_25 : vector<8x2048xf32>
    %broadcast_in_dim3A_27 = arith.constant 0.000000e+00 : f32
    %broadcast_in_dim3A_28 = vector.broadcast %broadcast_in_dim3A_27 : f32 to vector<8x4xf32>
    %slice3A_29 = vector.extract_strided_slice %add3A_26 {offsets = [0, 0], sizes = [8, 2044], strides = [1, 1]} : vector<8x2048xf32> to vector<8x2044xf32>
    %concatenate3A_30 = tpu.concatenate %broadcast_in_dim3A_28, %slice3A_29 in 1 : vector<8x4xf32>, vector<8x2044xf32> -> vector<8x2048xf32>
    %add3A_31 = arith.addf %add3A_26, %concatenate3A_30 : vector<8x2048xf32>
    %broadcast_in_dim3A_32 = arith.constant 0.000000e+00 : f32
    %broadcast_in_dim3A_33 = vector.broadcast %broadcast_in_dim3A_32 : f32 to vector<8x8xf32>
    %slice3A_34 = vector.extract_strided_slice %add3A_31 {offsets = [0, 0], sizes = [8, 2040], strides = [1, 1]} : vector<8x2048xf32> to vector<8x2040xf32>
    %concatenate3A_35 = tpu.concatenate %broadcast_in_dim3A_33, %slice3A_34 in 1 : vector<8x8xf32>, vector<8x2040xf32> -> vector<8x2048xf32>
    %add3A_36 = arith.addf %add3A_31, %concatenate3A_35 : vector<8x2048xf32>
    %broadcast_in_dim3A_37 = arith.constant 0.000000e+00 : f32
    %broadcast_in_dim3A_38 = vector.broadcast %broadcast_in_dim3A_37 : f32 to vector<8x16xf32>
    %slice3A_39 = vector.extract_strided_slice %add3A_36 {offsets = [0, 0], sizes = [8, 2032], strides = [1, 1]} : vector<8x2048xf32> to vector<8x2032xf32>
    %concatenate3A_40 = tpu.concatenate %broadcast_in_dim3A_38, %slice3A_39 in 1 : vector<8x16xf32>, vector<8x2032xf32> -> vector<8x2048xf32>
    %add3A_41 = arith.addf %add3A_36, %concatenate3A_40 : vector<8x2048xf32>
    %broadcast_in_dim3A_42 = arith.constant 0.000000e+00 : f32
    %broadcast_in_dim3A_43 = vector.broadcast %broadcast_in_dim3A_42 : f32 to vector<8x32xf32>
    %slice3A_44 = vector.extract_strided_slice %add3A_41 {offsets = [0, 0], sizes = [8, 2016], strides = [1, 1]} : vector<8x2048xf32> to vector<8x2016xf32>
    %concatenate3A_45 = tpu.concatenate %broadcast_in_dim3A_43, %slice3A_44 in 1 : vector<8x32xf32>, vector<8x2016xf32> -> vector<8x2048xf32>
    %add3A_46 = arith.addf %add3A_41, %concatenate3A_45 : vector<8x2048xf32>
    %broadcast_in_dim3A_47 = arith.constant 0.000000e+00 : f32
    %broadcast_in_dim3A_48 = vector.broadcast %broadcast_in_dim3A_47 : f32 to vector<8x64xf32>
    %slice3A_49 = vector.extract_strided_slice %add3A_46 {offsets = [0, 0], sizes = [8, 1984], strides = [1, 1]} : vector<8x2048xf32> to vector<8x1984xf32>
    %concatenate3A_50 = tpu.concatenate %broadcast_in_dim3A_48, %slice3A_49 in 1 : vector<8x64xf32>, vector<8x1984xf32> -> vector<8x2048xf32>
    %add3A_51 = arith.addf %add3A_46, %concatenate3A_50 : vector<8x2048xf32>
    %broadcast_in_dim3A_52 = arith.constant 0.000000e+00 : f32
    %broadcast_in_dim3A_53 = vector.broadcast %broadcast_in_dim3A_52 : f32 to vector<8x128xf32>
    %slice3A_54 = vector.extract_strided_slice %add3A_51 {offsets = [0, 0], sizes = [8, 1920], strides = [1, 1]} : vector<8x2048xf32> to vector<8x1920xf32>
    %concatenate3A_55 = tpu.concatenate %broadcast_in_dim3A_53, %slice3A_54 in 1 : vector<8x128xf32>, vector<8x1920xf32> -> vector<8x2048xf32>
    %add3A_56 = arith.addf %add3A_51, %concatenate3A_55 : vector<8x2048xf32>
    %broadcast_in_dim3A_57 = arith.constant 0.000000e+00 : f32
    %broadcast_in_dim3A_58 = vector.broadcast %broadcast_in_dim3A_57 : f32 to vector<8x256xf32>
    %slice3A_59 = vector.extract_strided_slice %add3A_56 {offsets = [0, 0], sizes = [8, 1792], strides = [1, 1]} : vector<8x2048xf32> to vector<8x1792xf32>
    %concatenate3A_60 = tpu.concatenate %broadcast_in_dim3A_58, %slice3A_59 in 1 : vector<8x256xf32>, vector<8x1792xf32> -> vector<8x2048xf32>
    %add3A_61 = arith.addf %add3A_56, %concatenate3A_60 : vector<8x2048xf32>
    %broadcast_in_dim3A_62 = arith.constant 0.000000e+00 : f32
    %broadcast_in_dim3A_63 = vector.broadcast %broadcast_in_dim3A_62 : f32 to vector<8x512xf32>
    %slice3A_64 = vector.extract_strided_slice %add3A_61 {offsets = [0, 0], sizes = [8, 1536], strides = [1, 1]} : vector<8x2048xf32> to vector<8x1536xf32>
    %concatenate3A_65 = tpu.concatenate %broadcast_in_dim3A_63, %slice3A_64 in 1 : vector<8x512xf32>, vector<8x1536xf32> -> vector<8x2048xf32>
    %add3A_66 = arith.addf %add3A_61, %concatenate3A_65 : vector<8x2048xf32>
    %broadcast_in_dim3A_67 = arith.constant 0.000000e+00 : f32
    %broadcast_in_dim3A_68 = vector.broadcast %broadcast_in_dim3A_67 : f32 to vector<8x1024xf32>
    %slice3A_69 = vector.extract_strided_slice %add3A_66 {offsets = [0, 0], sizes = [8, 1024], strides = [1, 1]} : vector<8x2048xf32> to vector<8x1024xf32>
    %concatenate3A_70 = tpu.concatenate %broadcast_in_dim3A_68, %slice3A_69 in 1 : vector<8x1024xf32>, vector<8x1024xf32> -> vector<8x2048xf32>
    %add3A_71 = arith.addf %add3A_66, %concatenate3A_70 : vector<8x2048xf32>
    %mul3A = arith.mulf %add3A_71, %convert_element_type3A_16 : vector<8x2048xf32>
    %reduce_sum3A_72 = arith.constant dense<0.000000e+00> : vector<2048xf32>
    %reduce_sum3A_73 = vector.multi_reduction <add>, %mul3A, %reduce_sum3A_72 [0] : vector<8x2048xf32> to vector<2048xf32>
    %broadcast_in_dim3A_74 = vector.shape_cast %reduce_sum3A_73 : vector<2048xf32> to vector<1x2048xf32>
    %sub3A = arith.constant 1.000000e+00 : f32
    %sub3A_75 = vector.broadcast %sub3A : f32 to vector<1x2048xf32>
    %sub3A_76 = arith.subf %broadcast_in_dim3A_74, %sub3A_75 : vector<1x2048xf32>
    %broadcast_in_dim3A_77 = arith.constant 0.000000e+00 : f32
    %broadcast_in_dim3A_78 = vector.broadcast %broadcast_in_dim3A_77 : f32 to vector<1x1xf32>
    %slice3A_79 = vector.extract_strided_slice %broadcast_in_dim3A_18 {offsets = [0, 0], sizes = [7, 1], strides = [1, 1]} : vector<8x1xf32> to vector<7x1xf32>
    %concatenate3A_80 = tpu.concatenate %broadcast_in_dim3A_78, %slice3A_79 in 0 : vector<1x1xf32>, vector<7x1xf32> -> vector<8x1xf32>
    %add3A_81 = arith.addf %broadcast_in_dim3A_18, %concatenate3A_80 : vector<8x1xf32>
    %broadcast_in_dim3A_82 = arith.constant 0.000000e+00 : f32
    %broadcast_in_dim3A_83 = vector.broadcast %broadcast_in_dim3A_82 : f32 to vector<2x1xf32>
    %slice3A_84 = vector.extract_strided_slice %add3A_81 {offsets = [0, 0], sizes = [6, 1], strides = [1, 1]} : vector<8x1xf32> to vector<6x1xf32>
    %concatenate3A_85 = tpu.concatenate %broadcast_in_dim3A_83, %slice3A_84 in 0 : vector<2x1xf32>, vector<6x1xf32> -> vector<8x1xf32>
    %add3A_86 = arith.addf %add3A_81, %concatenate3A_85 : vector<8x1xf32>
    %broadcast_in_dim3A_87 = arith.constant 0.000000e+00 : f32
    %broadcast_in_dim3A_88 = vector.broadcast %broadcast_in_dim3A_87 : f32 to vector<4x1xf32>
    %slice3A_89 = vector.extract_strided_slice %add3A_86 {offsets = [0, 0], sizes = [4, 1], strides = [1, 1]} : vector<8x1xf32> to vector<4x1xf32>
    %concatenate3A_90 = tpu.concatenate %broadcast_in_dim3A_88, %slice3A_89 in 0 : vector<4x1xf32>, vector<4x1xf32> -> vector<8x1xf32>
    %add3A_91 = arith.addf %add3A_86, %concatenate3A_90 : vector<8x1xf32>
    %sub3A_92 = arith.subf %add3A_91, %broadcast_in_dim3A_18 : vector<8x1xf32>
    %mul3A_93 = vector.broadcast %sub3A_92 : vector<8x1xf32> to vector<8x2048xf32>
    %mul3A_94 = arith.mulf %mul3A_93, %convert_element_type3A_16 : vector<8x2048xf32>
    %reduce_sum3A_95 = arith.constant dense<0.000000e+00> : vector<2048xf32>
    %reduce_sum3A_96 = vector.multi_reduction <add>, %mul3A_94, %reduce_sum3A_95 [0] : vector<8x2048xf32> to vector<2048xf32>
    %broadcast_in_dim3A_97 = vector.shape_cast %reduce_sum3A_96 : vector<2048xf32> to vector<1x2048xf32>
    %add3A_98 = arith.addf %broadcast_in_dim3A_97, %sub3A_76 : vector<1x2048xf32>
    %convert_element_type3A_99 = arith.fptosi %add3A_98 : vector<1x2048xf32> to vector<1x2048xi32>
    %swap3A = arith.constant 0 : index
    %swap3A_100 = arith.constant 0 : index
    %swap3A_101 = vector.load %arg4[%swap3A, %swap3A_100] : memref<1x2048xi32, #tpu.memory_space<vmem>>, vector<1x2048xi32>
    tpu.vector_store %arg4[%swap3A, %swap3A_100], %convert_element_type3A_99 {strides = array<i32>} : memref<1x2048xi32, #tpu.memory_space<vmem>>, vector<1x2048xi32>,
    %iota3A_102 = tpu.iota {dimensions = array<i32: 1>} : vector<8x8xi32>
    %convert_element_type3A_103 = arith.sitofp %iota3A_102 : vector<8x8xi32> to vector<8x8xf32>
    %mul3A_104 = arith.constant 2.560000e+02 : f32
    %mul3A_105 = vector.broadcast %mul3A_104 : f32 to vector<8x8xf32>
    %mul3A_106 = arith.mulf %convert_element_type3A_103, %mul3A_105 : vector<8x8xf32>
    %le3A = vector.broadcast %sub3A_92 : vector<8x1xf32> to vector<8x8xf32>
    %le3A_107 = arith.cmpf ole, %le3A, %mul3A_106 : vector<8x8xf32>
    %convert_element_type3A_108 = arith.extui %le3A_107 : vector<8x8xi1> to vector<8x8xi32>
    %convert_element_type3A_109 = arith.sitofp %convert_element_type3A_108 : vector<8x8xi32> to vector<8x8xf32>
    %reduce_sum3A_110 = arith.constant dense<0.000000e+00> : vector<8xf32>
    %reduce_sum3A_111 = vector.multi_reduction <add>, %convert_element_type3A_109, %reduce_sum3A_110 [0] : vector<8x8xf32> to vector<8xf32>
    %broadcast_in_dim3A_112 = vector.shape_cast %reduce_sum3A_111 : vector<8xf32> to vector<1x8xf32>
    %sub3A_113 = arith.constant 1.000000e+00 : f32
    %sub3A_114 = vector.broadcast %sub3A_113 : f32 to vector<1x8xf32>
    %sub3A_115 = arith.subf %broadcast_in_dim3A_112, %sub3A_114 : vector<1x8xf32>
    %add3A_116 = arith.constant 2.550000e+02 : f32
    %add3A_117 = vector.broadcast %add3A_116 : f32 to vector<8x8xf32>
    %add3A_118 = arith.addf %mul3A_106, %add3A_117 : vector<8x8xf32>
    %le3A_119 = vector.broadcast %sub3A_92 : vector<8x1xf32> to vector<8x8xf32>
    %le3A_120 = arith.cmpf ole, %le3A_119, %add3A_118 : vector<8x8xf32>
    %convert_element_type3A_121 = arith.extui %le3A_120 : vector<8x8xi1> to vector<8x8xi32>
    %convert_element_type3A_122 = arith.sitofp %convert_element_type3A_121 : vector<8x8xi32> to vector<8x8xf32>
    %reduce_sum3A_123 = arith.constant dense<0.000000e+00> : vector<8xf32>
    %reduce_sum3A_124 = vector.multi_reduction <add>, %convert_element_type3A_122, %reduce_sum3A_123 [0] : vector<8x8xf32> to vector<8xf32>
    %broadcast_in_dim3A_125 = vector.shape_cast %reduce_sum3A_124 : vector<8xf32> to vector<1x8xf32>
    %sub3A_126 = arith.constant 1.000000e+00 : f32
    %sub3A_127 = vector.broadcast %sub3A_126 : f32 to vector<1x8xf32>
    %sub3A_128 = arith.subf %broadcast_in_dim3A_125, %sub3A_127 : vector<1x8xf32>
    %sub3A_129 = arith.subf %sub3A_128, %sub3A_115 : vector<1x8xf32>
    %add3A_130 = arith.constant 1.000000e+00 : f32
    %add3A_131 = vector.broadcast %add3A_130 : f32 to vector<1x8xf32>
    %add3A_132 = arith.addf %sub3A_129, %add3A_131 : vector<1x8xf32>
    %broadcast_in_dim3A_133 = arith.constant 0.000000e+00 : f32
    %broadcast_in_dim3A_134 = vector.broadcast %broadcast_in_dim3A_133 : f32 to vector<1x1xf32>
    %slice3A_135 = vector.extract_strided_slice %add3A_132 {offsets = [0, 0], sizes = [1, 7], strides = [1, 1]} : vector<1x8xf32> to vector<1x7xf32>
    %concatenate3A_136 = tpu.concatenate %broadcast_in_dim3A_134, %slice3A_135 in 1 : vector<1x1xf32>, vector<1x7xf32> -> vector<1x8xf32>
    %add3A_137 = arith.addf %add3A_132, %concatenate3A_136 : vector<1x8xf32>
    %broadcast_in_dim3A_138 = arith.constant 0.000000e+00 : f32
    %broadcast_in_dim3A_139 = vector.broadcast %broadcast_in_dim3A_138 : f32 to vector<1x2xf32>
    %slice3A_140 = vector.extract_strided_slice %add3A_137 {offsets = [0, 0], sizes = [1, 6], strides = [1, 1]} : vector<1x8xf32> to vector<1x6xf32>
    %concatenate3A_141 = tpu.concatenate %broadcast_in_dim3A_139, %slice3A_140 in 1 : vector<1x2xf32>, vector<1x6xf32> -> vector<1x8xf32>
    %add3A_142 = arith.addf %add3A_137, %concatenate3A_141 : vector<1x8xf32>
    %broadcast_in_dim3A_143 = arith.constant 0.000000e+00 : f32
    %broadcast_in_dim3A_144 = vector.broadcast %broadcast_in_dim3A_143 : f32 to vector<1x4xf32>
    %slice3A_145 = vector.extract_strided_slice %add3A_142 {offsets = [0, 0], sizes = [1, 4], strides = [1, 1]} : vector<1x8xf32> to vector<1x4xf32>
    %concatenate3A_146 = tpu.concatenate %broadcast_in_dim3A_144, %slice3A_145 in 1 : vector<1x4xf32>, vector<1x4xf32> -> vector<1x8xf32>
    %add3A_147 = arith.addf %add3A_142, %concatenate3A_146 : vector<1x8xf32>
    %sub3A_148 = arith.subf %add3A_147, %add3A_132 : vector<1x8xf32>
    %transpose3A_149 = tpu.transpose %sub3A_148, [1, 0] : vector<1x8xf32> -> vector<8x1xf32>
    %iota3A_150 = tpu.iota {dimensions = array<i32: 1>} : vector<8x15xi32>
    %convert_element_type3A_151 = arith.sitofp %iota3A_150 : vector<8x15xi32> to vector<8x15xf32>
    %le3A_152 = vector.broadcast %transpose3A_149 : vector<8x1xf32> to vector<8x15xf32>
    %le3A_153 = arith.cmpf ole, %le3A_152, %convert_element_type3A_151 : vector<8x15xf32>
    %convert_element_type3A_154 = arith.extui %le3A_153 : vector<8x15xi1> to vector<8x15xi32>
    %convert_element_type3A_155 = arith.sitofp %convert_element_type3A_154 : vector<8x15xi32> to vector<8x15xf32>
    %reduce_sum3A_156 = arith.constant dense<0.000000e+00> : vector<15xf32>
    %reduce_sum3A_157 = vector.multi_reduction <add>, %convert_element_type3A_155, %reduce_sum3A_156 [0] : vector<8x15xf32> to vector<15xf32>
    %broadcast_in_dim3A_158 = vector.shape_cast %reduce_sum3A_157 : vector<15xf32> to vector<1x15xf32>
    %sub3A_159 = arith.constant 1.000000e+00 : f32
    %sub3A_160 = vector.broadcast %sub3A_159 : f32 to vector<1x15xf32>
    %sub3A_161 = arith.subf %broadcast_in_dim3A_158, %sub3A_160 : vector<1x15xf32>
    %iota3A_162 = tpu.iota {dimensions = array<i32: 0>} : vector<8x15xi32>
    %convert_element_type3A_163 = arith.sitofp %iota3A_162 : vector<8x15xi32> to vector<8x15xf32>
    %eq3A_164 = vector.broadcast %sub3A_161 : vector<1x15xf32> to vector<8x15xf32>
    %eq3A_165 = arith.cmpf oeq, %convert_element_type3A_163, %eq3A_164 : vector<8x15xf32>
    %convert_element_type3A_166 = arith.extui %eq3A_165 : vector<8x15xi1> to vector<8x15xi32>
    %convert_element_type3A_167 = arith.sitofp %convert_element_type3A_166 : vector<8x15xi32> to vector<8x15xf32>
    %transpose3A_168 = tpu.transpose %sub3A_115, [1, 0] : vector<1x8xf32> -> vector<8x1xf32>
    %mul3A_169 = vector.broadcast %transpose3A_168 : vector<8x1xf32> to vector<8x15xf32>
    %mul3A_170 = arith.mulf %mul3A_169, %convert_element_type3A_167 : vector<8x15xf32>
    %reduce_sum3A_171 = arith.constant dense<0.000000e+00> : vector<15xf32>
    %reduce_sum3A_172 = vector.multi_reduction <add>, %mul3A_170, %reduce_sum3A_171 [0] : vector<8x15xf32> to vector<15xf32>
    %broadcast_in_dim3A_173 = vector.shape_cast %reduce_sum3A_172 : vector<15xf32> to vector<1x15xf32>
    %mul3A_174 = vector.broadcast %transpose3A_149 : vector<8x1xf32> to vector<8x15xf32>
    %mul3A_175 = arith.mulf %mul3A_174, %convert_element_type3A_167 : vector<8x15xf32>
    %reduce_sum3A_176 = arith.constant dense<0.000000e+00> : vector<15xf32>
    %reduce_sum3A_177 = vector.multi_reduction <add>, %mul3A_175, %reduce_sum3A_176 [0] : vector<8x15xf32> to vector<15xf32>
    %broadcast_in_dim3A_178 = vector.shape_cast %reduce_sum3A_177 : vector<15xf32> to vector<1x15xf32>
    %iota3A_179 = tpu.iota {dimensions = array<i32: 1>} : vector<1x15xi32>
    %convert_element_type3A_180 = arith.sitofp %iota3A_179 : vector<1x15xi32> to vector<1x15xf32>
    %sub3A_181 = arith.subf %convert_element_type3A_180, %broadcast_in_dim3A_178 : vector<1x15xf32>
    %add3A_182 = arith.addf %broadcast_in_dim3A_173, %sub3A_181 : vector<1x15xf32>
    %min3A = arith.constant 7.000000e+00 : f32
    %min3A_183 = vector.broadcast %min3A : f32 to vector<1x15xf32>
    %min3A_184 = arith.minimumf %add3A_182, %min3A_183 : vector<1x15xf32>
    %iota3A_185 = tpu.iota {dimensions = array<i32: 0>} : vector<8x15xi32>
    %convert_element_type3A_186 = arith.sitofp %iota3A_185 : vector<8x15xi32> to vector<8x15xf32>
    %eq3A_187 = vector.broadcast %min3A_184 : vector<1x15xf32> to vector<8x15xf32>
    %eq3A_188 = arith.cmpf oeq, %convert_element_type3A_186, %eq3A_187 : vector<8x15xf32>
    %convert_element_type3A_189 = arith.extui %eq3A_188 : vector<8x15xi1> to vector<8x15xi32>
    %convert_element_type3A_190 = arith.sitofp %convert_element_type3A_189 : vector<8x15xi32> to vector<8x15xf32>
    %mul3A_191 = vector.broadcast %sub3A_92 : vector<8x1xf32> to vector<8x15xf32>
    %mul3A_192 = arith.mulf %mul3A_191, %convert_element_type3A_190 : vector<8x15xf32>
    %reduce_sum3A_193 = arith.constant dense<0.000000e+00> : vector<15xf32>
    %reduce_sum3A_194 = vector.multi_reduction <add>, %mul3A_192, %reduce_sum3A_193 [0] : vector<8x15xf32> to vector<15xf32>
    %broadcast_in_dim3A_195 = vector.shape_cast %reduce_sum3A_194 : vector<15xf32> to vector<1x15xf32>
    %mul3A_196 = vector.broadcast %add3A_91 : vector<8x1xf32> to vector<8x15xf32>
    %mul3A_197 = arith.mulf %mul3A_196, %convert_element_type3A_190 : vector<8x15xf32>
    %reduce_sum3A_198 = arith.constant dense<0.000000e+00> : vector<15xf32>
    %reduce_sum3A_199 = vector.multi_reduction <add>, %mul3A_197, %reduce_sum3A_198 [0] : vector<8x15xf32> to vector<15xf32>
    %broadcast_in_dim3A_200 = vector.shape_cast %reduce_sum3A_199 : vector<15xf32> to vector<1x15xf32>
    %mul3A_201 = arith.constant 2.560000e+02 : f32
    %mul3A_202 = vector.broadcast %mul3A_201 : f32 to vector<1x15xf32>
    %mul3A_203 = arith.mulf %sub3A_161, %mul3A_202 : vector<1x15xf32>
    %max3A = arith.maximumf %broadcast_in_dim3A_195, %mul3A_203 : vector<1x15xf32>
    %sub3A_204 = arith.subf %max3A, %mul3A_203 : vector<1x15xf32>
    %add3A_205 = arith.constant 2.560000e+02 : f32
    %add3A_206 = vector.broadcast %add3A_205 : f32 to vector<1x15xf32>
    %add3A_207 = arith.addf %mul3A_203, %add3A_206 : vector<1x15xf32>
    %min3A_208 = arith.minimumf %broadcast_in_dim3A_200, %add3A_207 : vector<1x15xf32>
    %sub3A_209 = arith.subf %min3A_208, %mul3A_203 : vector<1x15xf32>
    %concatenate3A_210 = tpu.concatenate %sub3A_161, %min3A_184, %sub3A_204, %sub3A_209 in 0 : vector<1x15xf32>, vector<1x15xf32>, vector<1x15xf32>, vector<1x15xf32> -> vector<4x15xf32>
    %convert_element_type3A_211 = arith.fptosi %concatenate3A_210 : vector<4x15xf32> to vector<4x15xi32>
    %swap3A_212 = arith.constant 0 : index
    %swap3A_213 = arith.constant 0 : index
    %swap3A_214 = vector.load %arg5[%swap3A_212, %swap3A_213] : memref<4x15xi32, #tpu.memory_space<vmem>>, vector<4x15xi32>
    tpu.vector_store %arg5[%swap3A_212, %swap3A_213], %convert_element_type3A_211 {strides = array<i32>} : memref<4x15xi32, #tpu.memory_space<vmem>>, vector<4x15xi32>,
    %sub3A_215 = arith.constant 2.560000e+02 : f32
    %sub3A_216 = vector.broadcast %sub3A_215 : f32 to vector<8x1xf32>
    %sub3A_217 = arith.subf %broadcast_in_dim3A_18, %sub3A_216 : vector<8x1xf32>
    %mul3A_218 = arith.mulf %sub3A_217, %sub3A_217 : vector<8x1xf32>
    %reduce_sum3A_219 = vector.shape_cast %mul3A_218 : vector<8x1xf32> to vector<1x8x1xf32>
    %reduce_sum3A_220 = arith.constant dense<0.000000e+00> : vector<1xf32>
    %reduce_sum3A_221 = vector.multi_reduction <add>, %reduce_sum3A_219, %reduce_sum3A_220 [1, 2] : vector<1x8x1xf32> to vector<1xf32>
    %reduce_sum3A_222 = vector.shape_cast %reduce_sum3A_221 : vector<1xf32> to vector<1x1x1xf32>
    %reduce_sum3A_223 = vector.extract %reduce_sum3A_222[0, 0, 0] : f32 from vector<1x1x1xf32>
    %broadcast_in_dim3A_224 = vector.broadcast %reduce_sum3A_223 : f32 to vector<1x1xf32>
    %mul3A_225 = arith.constant 4.35965397E-8 : f32
    %mul3A_226 = vector.broadcast %mul3A_225 : f32 to vector<1x1xf32>
    %mul3A_227 = arith.mulf %broadcast_in_dim3A_224, %mul3A_226 : vector<1x1xf32>
    %swap3A_228 = arith.constant 0 : index
    %swap3A_229 = arith.constant 0 : index
    %swap3A_230 = vector.load %arg6[%swap3A_228, %swap3A_229] : memref<1x1xf32, #tpu.memory_space<vmem>>, vector<1x1xf32>
    tpu.vector_store %arg6[%swap3A_228, %swap3A_229], %mul3A_227 {strides = array<i32>} : memref<1x1xf32, #tpu.memory_space<vmem>>, vector<1x1xf32>,
    return
  }
  func.func @transform_0(%arg0: i32) -> (i32, i32) {
    %c0_i32 = arith.constant 0 : i32
    %c0_i32_0 = arith.constant 0 : i32
    %c0_i32_1 = arith.constant 0 : i32
    return %c0_i32, %c0_i32_0 : i32, i32
  }
  func.func @transform_1(%arg0: i32) -> (i32, i32) {
    %c0_i32 = arith.constant 0 : i32
    %c1_i32 = arith.constant 1 : i32
    %c0_i32_0 = arith.constant 0 : i32
    return %c0_i32, %c1_i32 : i32, i32
  }
  func.func @transform_2(%arg0: i32) -> (i32, i32) {
    %c0_i32 = arith.constant 0 : i32
    %c0_i32_0 = arith.constant 0 : i32
    %c0_i32_1 = arith.constant 0 : i32
    return %c0_i32, %c0_i32_0 : i32, i32
  }
  func.func @transform_3(%arg0: i32) -> (i32, i32) {
    %c0_i32 = arith.constant 0 : i32
    %c0_i32_0 = arith.constant 0 : i32
    %c0_i32_1 = arith.constant 0 : i32
    return %c0_i32, %c0_i32_0 : i32, i32
  }
  func.func @transform_4(%arg0: i32) -> (i32, i32) {
    %c0_i32 = arith.constant 0 : i32
    %c0_i32_0 = arith.constant 0 : i32
    %c0_i32_1 = arith.constant 0 : i32
    return %c0_i32, %c0_i32_0 : i32, i32
  }
  func.func @transform_5(%arg0: i32) -> (i32, i32) {
    %c0_i32 = arith.constant 0 : i32
    %c0_i32_0 = arith.constant 0 : i32
    %c0_i32_1 = arith.constant 0 : i32
    return %c0_i32, %c0_i32_0 : i32, i32
  }
}

</mosaic_0001>

<sc_bundles>
// kernel: kernel.6.cloned.1.call-start
scs
__scs_entry_jumppad:
0x0: {  	(pc) =	sbr.rel $0x88, $3  }
0x1: {  	(tag) =	ssettag $0x0;
	lr =	simm.s32 $0x1  }
0x2: {  	[smem:$0x3F9C] =	sst lr;
	_ =	strace $0xD0000000  }
0x3: {  	_ = 	snop  }
0x4: {  	_ = 	snop  }
0x5: {  	_ = 	snop  }
0x6: {  	_ = 	snop  }
0x7: {  	_ = 	snop  }
__scs_overlays_trampoline_lowered:
0x8: {  	[smem:$0x3FAB] =	sst s0  }
0x9: {  	[smem:$0x3FAC] =	sst s1  }
0xa: {  	[smem:$0x3FAD] =	sst s2  }
0xb: {  	[smem:$0x3FAE] =	sst s3  }
0xc: {  	[smem:$0x3FAF] =	sst s4  }
0xd: {  	[smem:$0x3FB0] =	sst s5  }
0xe: {  	[smem:$0x3FB1] =	sst s6  }
0xf: {  	[smem:$0x3FB2] =	sst s7  }
0x10: {  	[smem:$0x3FB3] =	sst s8  }
0x11: {  	[smem:$0x3FB4] =	sst s9;
	s0 =	simm.s32 @!p0 $0x0  }
0x12: {  	s1 =	sld [smem:$0x3F9A];
	s0 =	simm.s32 @p0 $0x1  }
0x13: {  	[smem:$0x3FB5] =	sst s0;
	s0 =	simm.s32 @!p1 $0x0  }
0x14: {  	s2 =	sld [smem:$0x3F99];
	s0 =	simm.s32 @p1 $0x1  }
0x15: {  	[smem:$0x3FB6] =	sst s0;
	s0 =	simm.s32 @!p2 $0x0  }
0x16: {  	s3 =	sld [smem:$0x3FDB];
	s0 =	simm.s32 @p2 $0x1  }
0x17: {  	s4 =	simm.s32 $0x1BF5;
	[smem:$0x3FB8] =	sst s0  }
0x18: {  	s0 =	sld [smem:$0x3F9B];
	_ =	swait.ge [sflag:s4], $0x0  }
0x19: {  	s7 =	sld [smem:$0x3F9C]  }
0x1a: {  	s8 =	sadd.s32 $0xFFFFE003, lr  }
0x1b: {  	s9 =	sadd.s32 $0xFFFFFEF7, lr;
	s5 =	simm.s32 $0xFFFFFFFF;
	p2 =	slt.u32 s8, $0xFFFFF086  }
0x1c: {  	p1 =	slt.u32 s9, $0xF7A;
	s5 =	simm.s32 @!p2 $0x0  }
0x1d: {  	s5 =	simm.s32 @p1 $0x1;
	p0 =	seq.s32 s7, s2  }
0x1e: {  	s7 =	smul.u32 @!p0 $0xF7A, s2;
	p2 =	seq.s32 @!p0 s5, $0x0  }
0x1f: {  	s9 =	smul.u32 $0xF7A, s1;
	s8 =	simm.s32 @!p0 $0x1BF5;
	p2 =	por !p2, p0  }
0x20: {  	[sflag:s8] =	ssyncset.s32 @!p0 $0xFFFFF086;
	s6 =	sadd.s32 @!p0 s3, s7;
	s7 =	simm.s32 @!p0 $0x108  }
0x21: {  	s3 =	sadd.s32 s3, s9;
	s6 =	sadd.s32 @!p0 $0x88, s6;
	s7 =	simm.s32 @p2 $0x1082  }
0x22: {  	[simem:s7], [sflag:s8] =	dma.local @!p0 [hbm:s6], $0xF7A  }
0x23: {  	s9 =	sor.u32 $0xD0000000, s2;
	s6 =	simm.s32 $0x108;
	_ =	swait.ge @!p0 [sflag:s8], $0x0  }
0x24: {  	s3 =	sadd.s32 $0x88, s3;
	s6 =	simm.s32 @!p1 $0x1082;
	[sflag:s4] =	ssyncset.s32 $0xFFFFF086  }
0x25: {  	[simem:s6], [sflag:s4] =	dma.local [hbm:s3], $0xF7A  }
0x26: {  	[smem:$0x3F9C] =	sst s1;
	(tag) =	ssettag s2;
	_ =	strace s9  }
0x27: {  	s1 =	sld [smem:$0x3FAC]  }
0x28: {  	s2 =	sld [smem:$0x3FAD]  }
0x29: {  	s4 =	sld [smem:$0x3FAF]  }
0x2a: {  	p0 =	seq.s32 s5, $0x0;
	s5 =	sld [smem:$0x3FB0]  }
0x2b: {  	s6 =	sld [smem:$0x3FB1]  }
0x2c: {  	s7 =	sld [smem:$0x3FB2]  }
0x2d: {  	s3 =	simm.s32 $0x108;
	s8 =	sld [smem:$0x3FB3]  }
0x2e: {  	s3 =	simm.s32 @!p0 $0x1082;
	s9 =	sld [smem:$0x3FB4]  }
0x2f: {  	lr =	sadd.s32 s0, s3;
	s0 =	sld [smem:$0x3FAB]  }
0x30: {  	s3 =	sld [smem:$0x3FAE]  }
0x31: {  	[smem:$0x3FB7] =	sst s10  }
0x32: {  	s10 =	sld [smem:$0x3FB5];
	_ =	sdelay $0x3  }
0x33: {  	p0 =	seq.s32 s10, $0x1;
	s10 =	sld [smem:$0x3FB7];
	_ =	sdelay $0x3  }
0x34: {  	[smem:$0x3FB7] =	sst s10  }
0x35: {  	s10 =	sld [smem:$0x3FB6];
	_ =	sdelay $0x3  }
0x36: {  	p1 =	seq.s32 s10, $0x1;
	s10 =	sld [smem:$0x3FB7];
	_ =	sdelay $0x3  }
0x37: {  	[smem:$0x3FB7] =	sst s10  }
0x38: {  	s10 =	sld [smem:$0x3FB8]  }
0x39: {  	_ = 	snop;
	(pc) =	sbr.ind lr, $3  }
0x3a: {  	_ = 	snop  }
0x3b: {  	_ = 	snop  }
0x3c: {  	p2 =	seq.s32 s10, $0x1;
	s10 =	sld [smem:$0x3FB7]  }
0x3d: {  	_ =	shalt  }
0x3e: {  	_ =	shalt  }
0x3f: {  	_ =	shalt  }
0x40: {  	_ =	shalt  }
0x41: {  	_ =	shalt  }
0x42: {  	_ =	shalt  }
0x43: {  	_ =	shalt  }
0x44: {  	_ =	shalt  }
0x45: {  	_ =	shalt  }
0x46: {  	_ =	shalt  }
0x47: {  	_ =	shalt  }
0x48: {  	_ =	shalt  }
0x49: {  	_ =	shalt  }
0x4a: {  	_ =	shalt  }
0x4b: {  	_ =	shalt  }
0x4c: {  	_ =	shalt  }
0x4d: {  	_ =	shalt  }
0x4e: {  	_ =	shalt  }
0x4f: {  	_ =	shalt  }
0x50: {  	_ =	shalt  }
0x51: {  	_ =	shalt  }
0x52: {  	_ =	shalt  }
0x53: {  	_ =	shalt  }
0x54: {  	_ =	shalt  }
0x55: {  	_ =	shalt  }
0x56: {  	_ =	shalt  }
0x57: {  	_ =	shalt  }
0x58: {  	_ =	shalt  }
0x59: {  	_ =	shalt  }
0x5a: {  	_ =	shalt  }
0x5b: {  	_ =	shalt  }
0x5c: {  	_ =	shalt  }
0x5d: {  	_ =	shalt  }
0x5e: {  	_ =	shalt  }
0x5f: {  	_ =	shalt  }
0x60: {  	_ =	shalt  }
0x61: {  	_ =	shalt  }
0x62: {  	_ =	shalt  }
0x63: {  	_ =	shalt  }
0x64: {  	_ =	shalt  }
0x65: {  	_ =	shalt  }
0x66: {  	_ =	shalt  }
0x67: {  	_ =	shalt  }
0x68: {  	_ =	shalt  }
0x69: {  	_ =	shalt  }
0x6a: {  	_ =	shalt  }
0x6b: {  	_ =	shalt  }
0x6c: {  	_ =	shalt  }
0x6d: {  	_ =	shalt  }
0x6e: {  	_ =	shalt  }
0x6f: {  	_ =	shalt  }
0x70: {  	_ =	shalt  }
0x71: {  	_ =	shalt  }
0x72: {  	_ =	shalt  }
0x73: {  	_ =	shalt  }
0x74: {  	_ =	shalt  }
0x75: {  	_ =	shalt  }
0x76: {  	_ =	shalt  }
0x77: {  	_ =	shalt  }
0x78: {  	_ =	shalt  }
0x79: {  	_ =	shalt  }
0x7a: {  	_ =	shalt  }
0x7b: {  	_ =	shalt  }
0x7c: {  	_ =	shalt  }
0x7d: {  	_ =	shalt  }
0x7e: {  	_ =	shalt  }
0x7f: {  	_ =	shalt  }
0x80: {  	_ =	shalt  }
0x81: {  	_ =	shalt  }
0x82: {  	_ =	shalt  }
0x83: {  	_ =	shalt  }
0x84: {  	_ =	shalt  }
0x85: {  	_ =	shalt  }
0x86: {  	_ =	shalt  }
0x87: {  	_ =	shalt  }
.Lfunc_end0:
.L_simem_size_0:
called_computation_lowered:
.L_overlay_start_0:
0x88: {  	s2 =	sld [smem:$0x3FD9]  }
0x89: {  	s3 =	sld [smem:$0x3FFE];
	_ =	sdelay $0x1  }
0x8a: {  	s1 =	srdreg.scid  }
0x8b: {  	s0 =	sand.u32 $0x1, s1  }
0x8c: {  	s14 =	sshll.u32 s0, $0xA;
	s2 =	sadd.s32 s3, s2  }
0x8d: {  	s2 =	sadd.s32 s2, s14  }
0x8e: {  	[smem:$0x3FC3] =	sst s2  }
0x8f: {  	_ = 	snop  }
0x90: {  	s2 =	sld [smem:$0x3FD0];
	_ =	sdelay $0x2  }
0x91: {  	s4 =	simm.s32 $0xA;
	s5 =	simm.s32 $0x10;
	s15 =	sld [smem:$0x3FC9]  }
0x92: {  	[smem:s5], [sflag:s4] =	dma.local [hbm:s2], $0x1  }
0x93: {  	_ =	swait.eq [sflag:s4], $0x1  }
0x94: {  	[sflag:s4] =	ssyncset.done $0x0  }
0x95: {  	[sflag:s4] =	ssyncadd.s32 $0xFFFFFFFF  }
0x96: {  	s16 =	sld [smem:$0x10];
	(tm) =	ssettm $0x1  }
0x97: {  	s17 =	sld [smem:$0x3FFB];
	_ =	sdelay $0x3  }
0x98: {  	_ =	strace s17  }
0x99: {  	s4 =	sld [smem:$0x3FFC];
	_ =	sdelay $0x3  }
0x9a: {  	_ =	strace s4  }
0x9b: {  	s4 =	sld [smem:$0x3FFD];
	_ =	sdelay $0x3  }
0x9c: {  	_ =	strace s4  }
0x9d: {  	_ =	strace $0x8FFFFFFF  }
0x9e: {  	s18 =	sld [smem:$0x3FDB];
	_ =	sdelay $0x1  }
0x9f: {  	s19 =	simm.s32 $_scs_section_size  }
0xa0: {  	s6 =	simm.s32 $_size__tile_overlayer_lowered;
	s7 =	simm.s32 $_tile_overlayer_lowered  }
0xa1: {  	s22 =	simm.s32 $0x1BFF;
	s21 =	sshll.u32 s7, $0x1;
	s4 =	sadd.s32 s19, s18  }
0xa2: {  	s8 =	simm.s32 $0x0;
	s20 =	sshll.u32 s6, $0x1;
	s6 =	sadd.s32 s21, s4  }
0xa3: {  	[timem:s8], [sflag:s22] =	dma.local [hbm:s6], s20  }
0xa4: {  	_ =	swait.ge [sflag:s22], s20  }
0xa5: {  	s5 =	ssub.s32 $0x0, s20;
	[sflag:s22] =	ssyncset.done $0x0  }
0xa6: {  	[sflag:s22] =	ssyncadd.s32 s5;
	_ =	sdelay $0x1  }
0xa7: {  	s23 =	simm.s32 $0x1B8B  }
0xa8: {  	_ =	swait.ge [sflag:s23], $0x1  }
0xa9: {  	[sflag:s23] =	ssyncset.done $0x0  }
0xaa: {  	s25 =	simm.s32 $0x1B8E;
	s24 =	sld [smem:$0x3FFE];
	[sflag:s23] =	ssyncadd.s32 $0xFFFFFFFF  }
0xab: {  	s26 =	simm.s32 $execute0_lowered;
	[smem:$0x3FD2] =	sst s25  }
0xac: {  	s6 =	sshll.u32 s26, $0x1;
	_ =	strace $0x80000046;
	[dreg:$0x1] =	wrdreg $0xFFFFFFFF  }
0xad: {  	s28 =	simm.s32 $_size_execute0_lowered;
	s4 =	sadd.s32 s4, s6;
	[dreg:$0x0] =	wrdreg $0x0  }
0xae: {  	s6 =	sshll.u32 s28, $0x1;
	[dreg:$0x2] =	wrdreg s4  }
0xaf: {  	[dreg:$0x3] =	wrdreg s6  }
0xb0: {  	[dreg:$0x4] =	wrdreg $0xC0  }
0xb1: {  	_ =	task [dreg:s8], $0x5FFFF  }
0xb2: {  	[dreg:$0x1] =	wrdreg $0xFFFFFFFF  }
0xb3: {  	[dreg:$0x0] =	wrdreg $0x60  }
0xb4: {  	[dreg:$0x2] =	wrdreg s15  }
0xb5: {  	[dreg:$0x3] =	wrdreg s24  }
0xb6: {  	[dreg:$0x4] =	wrdreg s16  }
0xb7: {  	[dreg:$0x5] =	wrdreg $0x9  }
0xb8: {  	_ =	task.clear_ibuf [dreg:s8], $0x6FFFF;
	_ =	strace $0x90000046  }
0xb9: {  	s29 =	simm.s32 $0x9;
	_ =	strace $0x80000048  }
0xba: {  	_ =	swait.ge [sflag:s29], $0x1  }
0xbb: {  	[sflag:s29] =	ssyncadd.s32 $0xFFFFFFFF  }
0xbc: {  	_ =	strace $0x90000048  }
0xbd: {  	_ =	sfence  }
0xbe: {  	s30 =	sld [smem:$0x0];
	_ =	sdelay $0x2  }
0xbf: {  	s31 =	sshll.u32 s1, $0xD;
	s1 =	sshrl.u32 s1, $0x2  }
0xc0: {  	s3 =	sand.u32 $0x4000, s31;
	s1 =	sadd.s32 s1, s30  }
0xc1: {  	s0 =	sor.u32 s3, s0;
	s1 =	sshll.u32 s1, $0x11  }
0xc2: {  	s0 =	sor.u32 s1, s0  }
0xc3: {  	s0 =	sadd.s32 $0x8F2B, s0  }
0xc4: {  	[sflag:s0] =	ssyncadd.remote.s32 $0x1  }
0xc5: {  	_ =	sfence.sel $0xFFFF  }
0xc6: {  	[dreg:$0x0] =	wrdreg $0xFFFFFFFF;
	(pc) =	sbr.abs _section_cstart, $3  }
0xc7: {  	[dreg:$0x1] =	wrdreg $0xFFFFFFFF  }
0xc8: {  	_ =	task.clear_ibuf [dreg:s8], $0x2FFFF;
	_ =	strace $0x9FFFFFFF  }
0xc9: {  	(tm) =	ssettm $0x7FFFFFFF  }
tec
execute0_lowered:
.L_overlay_start_1:
0x0: {  	(tag) =	ssettag $0x1  }
0x1: {  	s1 =	rddreg [dreg:$0x0]  }
0x2: {  	s2 =	srdreg.scid;
	s4 =	rddreg [dreg:$0x1]  }
0x3: {  	s0 =	stileid.u32;
	s3 =	simm.s32 $0x0;
	s8 =	simm.s32 $0x80  }
0x4: {  	s26 =	simm.s32 $0x880;
	s9 =	simm.s32 $0x1080;
	s10 =	simm.s32 $0x1880  }
0x5: {  	s11 =	simm.s32 $0x2080;
	s12 =	simm.s32 $0x2880;
	s13 =	simm.s32 $0x3080  }
0x6: {  	s14 =	simm.s32 $0x3880;
	s15 =	simm.s32 $0x4080;
	s16 =	simm.s32 $0x4880  }
0x7: {  	s17 =	simm.s32 $0x5080;
	s18 =	simm.s32 $0x5880;
	s19 =	simm.s32 $0x6080  }
0x8: {  	s20 =	simm.s32 $0x6880;
	s21 =	simm.s32 $0x7080;
	s22 =	simm.s32 $0x7880  }
0x9: {  	s23 =	simm.s32 $0x8080;
	s28 =	simm.s32 $0xA080;
	s29 =	simm.s32 $0xA880  }
0xa: {  	s30 =	simm.s32 $0xB080;
	s5 =	sand.u32 $0x1, s2;
	s2 =	rddreg [dreg:$0x2]  }
0xb: {  	s31 =	simm.s32 $0xB880;
	s6 =	sshll.u32 s0, $0x4;
	[smem:$0x7FF] =	sst s3  }
0xc: {  	s7 =	sshll.u32 s5, $0x3;
	_ =	strace $0x80000047;
	s5 =	ssub.s32 $0x2, s5  }
0xd: {  	[dreg:$0x6] =	wrdreg s26;
	s26 =	simm.s32 $0x9880;
	s6 =	sor.u32 s7, s6  }
0xe: {  	s24 =	sshrl.u32 s5, $0x1;
	s7 =	simm.s32 $0x2;
	s4 =	sadd.s32 s6, s4  }
0xf: {  	s6 =	smul.u32 $0x300, s6;
	s25 =	ssub.s32 s5, s24;
	s4 =	sadd.s32 $0x1C00, s4  }
0x10: {  	v2 =	vlaneseq.u32;
	s5 =	sadd.s32 $0x200, s2;
	s24 =	simm.s32 $0x8880;
	[dreg:$0x4] =	wrdreg s4  }
0x11: {  	vm0 =	vmmov $0xffff;
	v1 =	vshrl.u32 v2, $0x3;
	s1 =	sadd.s32 s1, s6;
	s4 =	sadd.s32 $0x100, s2;
	s6 =	smax.u32 s25, $0x1  }
0x12: {  	v0 =	vand.u32 $0x7, v2;
	v2 =	vor.u32 $0x8, v2;
	v1 =	vmul.u32 $0x8, v1;
	s25 =	simm.s32 $0x9080;
	[dreg:$0x5] =	wrdreg s1;
	s1 =	simm.s32 $0x1  }
.LBB2_1:
0x13: {  	s0 =	rddreg [dreg:$0x4]  }
0x14: {  	[tilespmem:s3], [sflag:$0x2] =	stream.linear.gather [hbm4b:s0+s3], $0x40, $0x38;
	[tilespmem:$0xC080] =	vst v63  }
0x15: {  	_ =	swait.ge [sflag:s7], $0x40  }
0x16: {  	[sflag:s7] =	ssyncset.done $0x0  }
0x17: {  	s0 =	rddreg [dreg:$0x5];
	[sflag:s7] =	ssyncadd.s32 $0xFFFFFFC0  }
0x18: {  	[tilespmem:s8], [sflag:$0x2] =	stream.linear.gather [hbm4b:s0+s3], $0xC000, $0x38;
	[tilespmem:$0xC080] =	vst v63  }
0x19: {  	_ =	swait.ge [sflag:s7], $0xC000  }
0x1a: {  	[sflag:s7] =	ssyncset.done $0x0  }
0x1b: {  	[sflag:s7] =	ssyncadd.s32 $0xFFFF4000  }
0x1c: {  	v3 =	vld [tilespmem:$0x0];
	_ =	sdelay $0x4  }
0x1d: {  	v4 =	vshrl.u32 v3, $0x3  }
0x1e: {  	v4 =	vmul.u32 $0x30, v4  }
0x1f: {  	v3 =	vand.u32 $0x7, v3  }
0x20: {  	v3 =	vor.u32 v3, v4  }
0x21: {  	v4 =	vperm.xlane v3, v0;
	_ =	sdelay $0x1  }
0x22: {  	v4 =	vadd.s32 v1, v4;
	_ =	sdelay $0x3  }
0x23: {  	v3 =	vperm.xlane v3, v2  }
0x24: {  	[hbm4b:s2+s3] =	stream.indirect_vreg.scatter [tilespmem:s8], [sflag:$0x1], $0x80, v4, vm0, $0xb8;
	[tilespmem:$0xC080] =	vst v63  }
0x25: {  	s0 =	rddreg [dreg:$0x6];
	v3 =	vadd.s32 v1, v3  }
0x26: {  	[hbm4b:s4+s3] =	stream.indirect_vreg.scatter [tilespmem:s0], [sflag:$0x1], $0x80, v4, vm0, $0xb8;
	[tilespmem:$0xC080] =	vst v63  }
0x27: {  	_ = 	snop  }
0x28: {  	[hbm4b:s5+s3] =	stream.indirect_vreg.scatter [tilespmem:s9], [sflag:$0x1], $0x80, v4, vm0, $0xb8;
	[tilespmem:$0xC080] =	vst v63  }
0x29: {  	_ = 	snop  }
0x2a: {  	[hbm4b:s2+s3] =	stream.indirect_vreg.scatter [tilespmem:s10], [sflag:$0x1], $0x80, v3, vm0, $0xb8;
	[tilespmem:$0xC080] =	vst v63  }
0x2b: {  	_ = 	snop  }
0x2c: {  	[hbm4b:s4+s3] =	stream.indirect_vreg.scatter [tilespmem:s11], [sflag:$0x1], $0x80, v3, vm0, $0xb8;
	[tilespmem:$0xC080] =	vst v63  }
0x2d: {  	_ = 	snop  }
0x2e: {  	[hbm4b:s5+s3] =	stream.indirect_vreg.scatter [tilespmem:s12], [sflag:$0x1], $0x80, v3, vm0, $0xb8;
	[tilespmem:$0xC080] =	vst v63  }
0x2f: {  	v3 =	vld [tilespmem:$0x10];
	_ =	sdelay $0x4  }
0x30: {  	v61 =	vshrl.u32 v3, $0x3  }
0x31: {  	v4 =	vmul.u32 $0x30, v61  }
0x32: {  	v3 =	vand.u32 $0x7, v3  }
0x33: {  	v3 =	vor.u32 v3, v4  }
0x34: {  	v4 =	vperm.xlane v3, v0;
	_ =	sdelay $0x1  }
0x35: {  	v4 =	vadd.s32 v1, v4;
	_ =	sdelay $0x3  }
0x36: {  	v3 =	vperm.xlane v3, v2  }
0x37: {  	[hbm4b:s2+s3] =	stream.indirect_vreg.scatter [tilespmem:s13], [sflag:$0x1], $0x80, v4, vm0, $0xb8;
	[tilespmem:$0xC080] =	vst v63  }
0x38: {  	v3 =	vadd.s32 v1, v3  }
0x39: {  	[hbm4b:s4+s3] =	stream.indirect_vreg.scatter [tilespmem:s14], [sflag:$0x1], $0x80, v4, vm0, $0xb8;
	[tilespmem:$0xC080] =	vst v63  }
0x3a: {  	_ = 	snop  }
0x3b: {  	[hbm4b:s5+s3] =	stream.indirect_vreg.scatter [tilespmem:s15], [sflag:$0x1], $0x80, v4, vm0, $0xb8;
	[tilespmem:$0xC080] =	vst v63  }
0x3c: {  	_ = 	snop  }
0x3d: {  	[hbm4b:s2+s3] =	stream.indirect_vreg.scatter [tilespmem:s16], [sflag:$0x1], $0x80, v3, vm0, $0xb8;
	[tilespmem:$0xC080] =	vst v63  }
0x3e: {  	_ = 	snop  }
0x3f: {  	[hbm4b:s4+s3] =	stream.indirect_vreg.scatter [tilespmem:s17], [sflag:$0x1], $0x80, v3, vm0, $0xb8;
	[tilespmem:$0xC080] =	vst v63  }
0x40: {  	_ = 	snop  }
0x41: {  	[hbm4b:s5+s3] =	stream.indirect_vreg.scatter [tilespmem:s18], [sflag:$0x1], $0x80, v3, vm0, $0xb8;
	[tilespmem:$0xC080] =	vst v63  }
0x42: {  	v3 =	vld [tilespmem:$0x20];
	_ =	sdelay $0x4  }
0x43: {  	v62 =	vshrl.u32 v3, $0x3  }
0x44: {  	v4 =	vmul.u32 $0x30, v62  }
0x45: {  	v3 =	vand.u32 $0x7, v3  }
0x46: {  	v3 =	vor.u32 v3, v4  }
0x47: {  	v4 =	vperm.xlane v3, v0;
	_ =	sdelay $0x1  }
0x48: {  	v4 =	vadd.s32 v1, v4;
	_ =	sdelay $0x3  }
0x49: {  	v3 =	vperm.xlane v3, v2  }
0x4a: {  	[hbm4b:s2+s3] =	stream.indirect_vreg.scatter [tilespmem:s19], [sflag:$0x1], $0x80, v4, vm0, $0xb8;
	[tilespmem:$0xC080] =	vst v63  }
0x4b: {  	v3 =	vadd.s32 v1, v3  }
0x4c: {  	[hbm4b:s4+s3] =	stream.indirect_vreg.scatter [tilespmem:s20], [sflag:$0x1], $0x80, v4, vm0, $0xb8;
	[tilespmem:$0xC080] =	vst v63  }
0x4d: {  	_ = 	snop  }
0x4e: {  	[hbm4b:s5+s3] =	stream.indirect_vreg.scatter [tilespmem:s21], [sflag:$0x1], $0x80, v4, vm0, $0xb8;
	[tilespmem:$0xC080] =	vst v63  }
0x4f: {  	_ = 	snop  }
0x50: {  	[hbm4b:s2+s3] =	stream.indirect_vreg.scatter [tilespmem:s22], [sflag:$0x1], $0x80, v3, vm0, $0xb8;
	[tilespmem:$0xC080] =	vst v63  }
0x51: {  	_ = 	snop  }
0x52: {  	[hbm4b:s4+s3] =	stream.indirect_vreg.scatter [tilespmem:s23], [sflag:$0x1], $0x80, v3, vm0, $0xb8;
	[tilespmem:$0xC080] =	vst v63  }
0x53: {  	_ = 	snop  }
0x54: {  	[hbm4b:s5+s3] =	stream.indirect_vreg.scatter [tilespmem:s24], [sflag:$0x1], $0x80, v3, vm0, $0xb8;
	[tilespmem:$0xC080] =	vst v63  }
0x55: {  	v3 =	vld [tilespmem:$0x30];
	_ =	sdelay $0x4  }
0x56: {  	v63 =	vshrl.u32 v3, $0x3  }
0x57: {  	v4 =	vmul.u32 $0x30, v63  }
0x58: {  	v3 =	vand.u32 $0x7, v3  }
0x59: {  	v3 =	vor.u32 v3, v4  }
0x5a: {  	v4 =	vperm.xlane v3, v0;
	_ =	sdelay $0x1  }
0x5b: {  	v4 =	vadd.s32 v1, v4;
	_ =	sdelay $0x3  }
0x5c: {  	v3 =	vperm.xlane v3, v2  }
0x5d: {  	[hbm4b:s2+s3] =	stream.indirect_vreg.scatter [tilespmem:s25], [sflag:$0x1], $0x80, v4, vm0, $0xb8;
	[tilespmem:$0xC080] =	vst v63  }
0x5e: {  	v3 =	vadd.s32 v1, v3  }
0x5f: {  	[hbm4b:s4+s3] =	stream.indirect_vreg.scatter [tilespmem:s26], [sflag:$0x1], $0x80, v4, vm0, $0xb8;
	[tilespmem:$0xC080] =	vst v63  }
0x60: {  	_ = 	snop  }
0x61: {  	[hbm4b:s5+s3] =	stream.indirect_vreg.scatter [tilespmem:s28], [sflag:$0x1], $0x80, v4, vm0, $0xb8;
	[tilespmem:$0xC080] =	vst v63  }
0x62: {  	_ = 	snop  }
0x63: {  	[hbm4b:s2+s3] =	stream.indirect_vreg.scatter [tilespmem:s29], [sflag:$0x1], $0x80, v3, vm0, $0xb8;
	[tilespmem:$0xC080] =	vst v63  }
0x64: {  	p0 =	sne.s32 s6, $0x1  }
0x65: {  	[hbm4b:s4+s3] =	stream.indirect_vreg.scatter [tilespmem:s30], [sflag:$0x1], $0x80, v3, vm0, $0xb8;
	[tilespmem:$0xC080] =	vst v63  }
.Ltmp0:
0x66: {  	_ = 	snop;
	(pc) =	sbr.rel @p0 .LBB2_1-.Ltmp0, $4  }
0x67: {  	[hbm4b:s5+s3] =	stream.indirect_vreg.scatter [tilespmem:s31], [sflag:$0x1], $0x80, v3, vm0, $0xb8;
	[tilespmem:$0xC080] =	vst v63  }
0x68: {  	_ =	swait.ge [sflag:s1], $0xC000  }
0x69: {  	[sflag:s1] =	ssyncset.done $0x0  }
0x6a: {  	s6 =	sadd.s32 $0xFFFFFFFF, s6;
	[sflag:s1] =	ssyncadd.s32 $0xFFFF4000  }
0x6b: {  	_ =	sfence.sel $0x180000  }
0x6c: {  	[bflag:$0x0] =	sbarrier.arrive $0xFFFF  }
0x6d: {  	_ =	strace $0x90000047  }
0x6e: {  	s0 =	stileid.u32;
	[bflag:$0x2] =	sbarrier.arrive $0xFFFF  }
0x6f: {  	p0 =	sne.s32 s0, $0x0;
	s0 =	rddreg [dreg:$0x3]  }
0x70: {  	s0 =	sadd.s32 @!p0 $0x100000, s0  }
0x71: {  	[sflag:s0] =	ssyncadd.tile.s32 @!p0 $0x1;
	_ =	shalt  }
.Lfunc_end2:
_tile_overlayer_lowered:
.L_overlay_start_2:
0x72: {  	(tag) =	ssettag $0x2  }
0x73: {  	s0 =	rddreg [dreg:$0x0];
	s2 =	stileid.u32  }
0x74: {  	s1 =	rddreg [dreg:$0x1];
	p0 =	sne.s32 s2, $0x0  }
0x75: {  	s3 =	rddreg [dreg:$0x2];
	[bflag:$0x3] =	sbarrier.arrive $0xFFFF;
	s2 =	simm.s32 @!p0 $0x1C02  }
0x76: {  	[timem:s3], [sflag:s2] =	dma.local @!p0 [hbm:s0], s1  }
0x77: {  	s0 =	simm.s32 @!p0 $0x2  }
0x78: {  	_ =	swait.ge @!p0 [sflag:s0], s1  }
0x79: {  	s1 =	ssub.s32 @!p0 $0x0, s1;
	[sflag:s0] =	ssyncset.done @!p0 $0x0  }
0x7a: {  	[sflag:s0] =	ssyncadd.s32 @!p0 s1  }
0x7b: {  	[bflag:$0x3] =	sbarrier.arrive $0xFFFF  }
0x7c: {  	_ =	shalt  }

// kernel: kernel.9.cloned.1.call-start
scs
__scs_entry_jumppad:
0x0: {  	(pc) =	sbr.rel $0x88, $3  }
0x1: {  	(tag) =	ssettag $0x0;
	lr =	simm.s32 $0x1  }
0x2: {  	[smem:$0x3F9C] =	sst lr;
	_ =	strace $0xD0000000  }
0x3: {  	_ = 	snop  }
0x4: {  	_ = 	snop  }
0x5: {  	_ = 	snop  }
0x6: {  	_ = 	snop  }
0x7: {  	_ = 	snop  }
__scs_overlays_trampoline_lowered:
0x8: {  	[smem:$0x3FAB] =	sst s0  }
0x9: {  	[smem:$0x3FAC] =	sst s1  }
0xa: {  	[smem:$0x3FAD] =	sst s2  }
0xb: {  	[smem:$0x3FAE] =	sst s3  }
0xc: {  	[smem:$0x3FAF] =	sst s4  }
0xd: {  	[smem:$0x3FB0] =	sst s5  }
0xe: {  	[smem:$0x3FB1] =	sst s6  }
0xf: {  	[smem:$0x3FB2] =	sst s7  }
0x10: {  	[smem:$0x3FB3] =	sst s8  }
0x11: {  	[smem:$0x3FB4] =	sst s9;
	s0 =	simm.s32 @!p0 $0x0  }
0x12: {  	s1 =	sld [smem:$0x3F9A];
	s0 =	simm.s32 @p0 $0x1  }
0x13: {  	[smem:$0x3FB5] =	sst s0;
	s0 =	simm.s32 @!p1 $0x0  }
0x14: {  	s2 =	sld [smem:$0x3F99];
	s0 =	simm.s32 @p1 $0x1  }
0x15: {  	[smem:$0x3FB6] =	sst s0;
	s0 =	simm.s32 @!p2 $0x0  }
0x16: {  	s3 =	sld [smem:$0x3FDB];
	s0 =	simm.s32 @p2 $0x1  }
0x17: {  	s4 =	simm.s32 $0x1BF5;
	[smem:$0x3FB8] =	sst s0  }
0x18: {  	s0 =	sld [smem:$0x3F9B];
	_ =	swait.ge [sflag:s4], $0x0  }
0x19: {  	s7 =	sld [smem:$0x3F9C]  }
0x1a: {  	s8 =	sadd.s32 $0xFFFFE003, lr  }
0x1b: {  	s9 =	sadd.s32 $0xFFFFFEF7, lr;
	s5 =	simm.s32 $0xFFFFFFFF;
	p2 =	slt.u32 s8, $0xFFFFF086  }
0x1c: {  	p1 =	slt.u32 s9, $0xF7A;
	s5 =	simm.s32 @!p2 $0x0  }
0x1d: {  	s5 =	simm.s32 @p1 $0x1;
	p0 =	seq.s32 s7, s2  }
0x1e: {  	s7 =	smul.u32 @!p0 $0xF7A, s2;
	p2 =	seq.s32 @!p0 s5, $0x0  }
0x1f: {  	s9 =	smul.u32 $0xF7A, s1;
	s8 =	simm.s32 @!p0 $0x1BF5;
	p2 =	por !p2, p0  }
0x20: {  	[sflag:s8] =	ssyncset.s32 @!p0 $0xFFFFF086;
	s6 =	sadd.s32 @!p0 s3, s7;
	s7 =	simm.s32 @!p0 $0x108  }
0x21: {  	s3 =	sadd.s32 s3, s9;
	s6 =	sadd.s32 @!p0 $0x88, s6;
	s7 =	simm.s32 @p2 $0x1082  }
0x22: {  	[simem:s7], [sflag:s8] =	dma.local @!p0 [hbm:s6], $0xF7A  }
0x23: {  	s9 =	sor.u32 $0xD0000000, s2;
	s6 =	simm.s32 $0x108;
	_ =	swait.ge @!p0 [sflag:s8], $0x0  }
0x24: {  	s3 =	sadd.s32 $0x88, s3;
	s6 =	simm.s32 @!p1 $0x1082;
	[sflag:s4] =	ssyncset.s32 $0xFFFFF086  }
0x25: {  	[simem:s6], [sflag:s4] =	dma.local [hbm:s3], $0xF7A  }
0x26: {  	[smem:$0x3F9C] =	sst s1;
	(tag) =	ssettag s2;
	_ =	strace s9  }
0x27: {  	s1 =	sld [smem:$0x3FAC]  }
0x28: {  	s2 =	sld [smem:$0x3FAD]  }
0x29: {  	s4 =	sld [smem:$0x3FAF]  }
0x2a: {  	p0 =	seq.s32 s5, $0x0;
	s5 =	sld [smem:$0x3FB0]  }
0x2b: {  	s6 =	sld [smem:$0x3FB1]  }
0x2c: {  	s7 =	sld [smem:$0x3FB2]  }
0x2d: {  	s3 =	simm.s32 $0x108;
	s8 =	sld [smem:$0x3FB3]  }
0x2e: {  	s3 =	simm.s32 @!p0 $0x1082;
	s9 =	sld [smem:$0x3FB4]  }
0x2f: {  	lr =	sadd.s32 s0, s3;
	s0 =	sld [smem:$0x3FAB]  }
0x30: {  	s3 =	sld [smem:$0x3FAE]  }
0x31: {  	[smem:$0x3FB7] =	sst s10  }
0x32: {  	s10 =	sld [smem:$0x3FB5];
	_ =	sdelay $0x3  }
0x33: {  	p0 =	seq.s32 s10, $0x1;
	s10 =	sld [smem:$0x3FB7];
	_ =	sdelay $0x3  }
0x34: {  	[smem:$0x3FB7] =	sst s10  }
0x35: {  	s10 =	sld [smem:$0x3FB6];
	_ =	sdelay $0x3  }
0x36: {  	p1 =	seq.s32 s10, $0x1;
	s10 =	sld [smem:$0x3FB7];
	_ =	sdelay $0x3  }
0x37: {  	[smem:$0x3FB7] =	sst s10  }
0x38: {  	s10 =	sld [smem:$0x3FB8]  }
0x39: {  	_ = 	snop;
	(pc) =	sbr.ind lr, $3  }
0x3a: {  	_ = 	snop  }
0x3b: {  	_ = 	snop  }
0x3c: {  	p2 =	seq.s32 s10, $0x1;
	s10 =	sld [smem:$0x3FB7]  }
0x3d: {  	_ =	shalt  }
0x3e: {  	_ =	shalt  }
0x3f: {  	_ =	shalt  }
0x40: {  	_ =	shalt  }
0x41: {  	_ =	shalt  }
0x42: {  	_ =	shalt  }
0x43: {  	_ =	shalt  }
0x44: {  	_ =	shalt  }
0x45: {  	_ =	shalt  }
0x46: {  	_ =	shalt  }
0x47: {  	_ =	shalt  }
0x48: {  	_ =	shalt  }
0x49: {  	_ =	shalt  }
0x4a: {  	_ =	shalt  }
0x4b: {  	_ =	shalt  }
0x4c: {  	_ =	shalt  }
0x4d: {  	_ =	shalt  }
0x4e: {  	_ =	shalt  }
0x4f: {  	_ =	shalt  }
0x50: {  	_ =	shalt  }
0x51: {  	_ =	shalt  }
0x52: {  	_ =	shalt  }
0x53: {  	_ =	shalt  }
0x54: {  	_ =	shalt  }
0x55: {  	_ =	shalt  }
0x56: {  	_ =	shalt  }
0x57: {  	_ =	shalt  }
0x58: {  	_ =	shalt  }
0x59: {  	_ =	shalt  }
0x5a: {  	_ =	shalt  }
0x5b: {  	_ =	shalt  }
0x5c: {  	_ =	shalt  }
0x5d: {  	_ =	shalt  }
0x5e: {  	_ =	shalt  }
0x5f: {  	_ =	shalt  }
0x60: {  	_ =	shalt  }
0x61: {  	_ =	shalt  }
0x62: {  	_ =	shalt  }
0x63: {  	_ =	shalt  }
0x64: {  	_ =	shalt  }
0x65: {  	_ =	shalt  }
0x66: {  	_ =	shalt  }
0x67: {  	_ =	shalt  }
0x68: {  	_ =	shalt  }
0x69: {  	_ =	shalt  }
0x6a: {  	_ =	shalt  }
0x6b: {  	_ =	shalt  }
0x6c: {  	_ =	shalt  }
0x6d: {  	_ =	shalt  }
0x6e: {  	_ =	shalt  }
0x6f: {  	_ =	shalt  }
0x70: {  	_ =	shalt  }
0x71: {  	_ =	shalt  }
0x72: {  	_ =	shalt  }
0x73: {  	_ =	shalt  }
0x74: {  	_ =	shalt  }
0x75: {  	_ =	shalt  }
0x76: {  	_ =	shalt  }
0x77: {  	_ =	shalt  }
0x78: {  	_ =	shalt  }
0x79: {  	_ =	shalt  }
0x7a: {  	_ =	shalt  }
0x7b: {  	_ =	shalt  }
0x7c: {  	_ =	shalt  }
0x7d: {  	_ =	shalt  }
0x7e: {  	_ =	shalt  }
0x7f: {  	_ =	shalt  }
0x80: {  	_ =	shalt  }
0x81: {  	_ =	shalt  }
0x82: {  	_ =	shalt  }
0x83: {  	_ =	shalt  }
0x84: {  	_ =	shalt  }
0x85: {  	_ =	shalt  }
0x86: {  	_ =	shalt  }
0x87: {  	_ =	shalt  }
.Lfunc_end0:
.L_simem_size_0:
called_computation.1_lowered:
.L_overlay_start_0:
0x88: {  	s2 =	sld [smem:$0x3FD9]  }
0x89: {  	s3 =	sld [smem:$0x3FFE];
	_ =	sdelay $0x1  }
0x8a: {  	s1 =	srdreg.scid  }
0x8b: {  	s0 =	sand.u32 $0x1, s1  }
0x8c: {  	s14 =	sshll.u32 s0, $0xA;
	s2 =	sadd.s32 s3, s2  }
0x8d: {  	s2 =	sadd.s32 s2, s14  }
0x8e: {  	[smem:$0x3FC3] =	sst s2  }
0x8f: {  	_ = 	snop  }
0x90: {  	s2 =	sld [smem:$0x3FD0];
	_ =	sdelay $0x2  }
0x91: {  	s15 =	simm.s32 $0xA;
	s4 =	simm.s32 $0x10  }
0x92: {  	[smem:s4], [sflag:s15] =	dma.local [hbm:s2], $0x1  }
0x93: {  	_ =	swait.eq [sflag:s15], $0x1  }
0x94: {  	[sflag:s15] =	ssyncset.done $0x0  }
0x95: {  	[sflag:s15] =	ssyncadd.s32 $0xFFFFFFFF  }
0x96: {  	s16 =	sld [smem:$0x10];
	(tm) =	ssettm $0x1  }
0x97: {  	s17 =	sld [smem:$0x3FFB];
	_ =	sdelay $0x3  }
0x98: {  	_ =	strace s17  }
0x99: {  	s3 =	sld [smem:$0x3FFC];
	_ =	sdelay $0x3  }
0x9a: {  	_ =	strace s3  }
0x9b: {  	s3 =	sld [smem:$0x3FFD];
	_ =	sdelay $0x3  }
0x9c: {  	_ =	strace s3  }
0x9d: {  	_ =	strace $0x8FFFFFFF  }
0x9e: {  	s18 =	sld [smem:$0x3FDB];
	_ =	sdelay $0x1  }
0x9f: {  	s19 =	simm.s32 $_scs_section_size  }
0xa0: {  	s5 =	simm.s32 $_size__tile_overlayer_lowered;
	s6 =	simm.s32 $_tile_overlayer_lowered  }
0xa1: {  	s22 =	simm.s32 $0x1BFF;
	s21 =	sshll.u32 s6, $0x1;
	s3 =	sadd.s32 s19, s18  }
0xa2: {  	s7 =	simm.s32 $0x0;
	s20 =	sshll.u32 s5, $0x1;
	s5 =	sadd.s32 s21, s3  }
0xa3: {  	[timem:s7], [sflag:s22] =	dma.local [hbm:s5], s20  }
0xa4: {  	_ =	swait.ge [sflag:s22], s20  }
0xa5: {  	s4 =	ssub.s32 $0x0, s20;
	[sflag:s22] =	ssyncset.done $0x0  }
0xa6: {  	[sflag:s22] =	ssyncadd.s32 s4;
	_ =	sdelay $0x1  }
0xa7: {  	s23 =	simm.s32 $0x1B8B  }
0xa8: {  	_ =	swait.ge [sflag:s23], $0x1  }
0xa9: {  	[sflag:s23] =	ssyncset.done $0x0  }
0xaa: {  	s25 =	simm.s32 $0x1B8E;
	s24 =	sld [smem:$0x3FFE];
	[sflag:s23] =	ssyncadd.s32 $0xFFFFFFFF  }
0xab: {  	s26 =	simm.s32 $execute0_lowered;
	[smem:$0x3FD2] =	sst s25  }
0xac: {  	s5 =	sshll.u32 s26, $0x1;
	_ =	strace $0x80000049;
	[dreg:$0x1] =	wrdreg $0xFFFFFFFF  }
0xad: {  	s28 =	simm.s32 $_size_execute0_lowered;
	s3 =	sadd.s32 s3, s5;
	[dreg:$0x0] =	wrdreg $0x0  }
0xae: {  	s5 =	sshll.u32 s28, $0x1;
	[dreg:$0x2] =	wrdreg s3  }
0xaf: {  	[dreg:$0x3] =	wrdreg s5  }
0xb0: {  	[dreg:$0x4] =	wrdreg $0xC0  }
0xb1: {  	_ =	task [dreg:s7], $0x5FFFF  }
0xb2: {  	[dreg:$0x1] =	wrdreg $0xFFFFFFFF  }
0xb3: {  	[dreg:$0x0] =	wrdreg $0x60  }
0xb4: {  	[dreg:$0x2] =	wrdreg s24  }
0xb5: {  	[dreg:$0x3] =	wrdreg s16  }
0xb6: {  	[dreg:$0x4] =	wrdreg $0x9  }
0xb7: {  	_ =	task.clear_ibuf [dreg:s7], $0x5FFFF;
	_ =	strace $0x90000049  }
0xb8: {  	s29 =	simm.s32 $0x9;
	_ =	strace $0x8000004B  }
0xb9: {  	_ =	swait.ge [sflag:s29], $0x1  }
0xba: {  	[sflag:s29] =	ssyncadd.s32 $0xFFFFFFFF  }
0xbb: {  	_ =	strace $0x9000004B  }
0xbc: {  	_ =	sfence  }
0xbd: {  	s30 =	sld [smem:$0x0];
	_ =	sdelay $0x2  }
0xbe: {  	s31 =	sshll.u32 s1, $0xD;
	s1 =	sshrl.u32 s1, $0x2  }
0xbf: {  	s3 =	sand.u32 $0x4000, s31;
	s1 =	sadd.s32 s1, s30  }
0xc0: {  	s0 =	sor.u32 s3, s0;
	s1 =	sshll.u32 s1, $0x11  }
0xc1: {  	s0 =	sor.u32 s1, s0  }
0xc2: {  	s0 =	sadd.s32 $0x8F2B, s0  }
0xc3: {  	[sflag:s0] =	ssyncadd.remote.s32 $0x1  }
0xc4: {  	_ =	sfence.sel $0xFFFF  }
0xc5: {  	[dreg:$0x0] =	wrdreg $0xFFFFFFFF;
	(pc) =	sbr.abs _section_cstart, $3  }
0xc6: {  	[dreg:$0x1] =	wrdreg $0xFFFFFFFF  }
0xc7: {  	_ =	task.clear_ibuf [dreg:s7], $0x2FFFF;
	_ =	strace $0x9FFFFFFF  }
0xc8: {  	(tm) =	ssettm $0x7FFFFFFF  }
0xc9: {  	_ =	shalt  }
tec
execute0_lowered:
.L_overlay_start_1:
0x0: {  	(tag) =	ssettag $0x1  }
0x1: {  	s1 =	srdreg.scid;
	s6 =	rddreg [dreg:$0x0]  }
0x2: {  	s0 =	stileid.u32;
	s4 =	rddreg [dreg:$0x1];
	s21 =	simm.s32 $0x880  }
0x3: {  	s22 =	simm.s32 $0x1080;
	s23 =	simm.s32 $0x1880;
	s24 =	simm.s32 $0x2080  }
0x4: {  	s25 =	simm.s32 $0x2880;
	s26 =	simm.s32 $0x3080;
	s9 =	simm.s32 $0x80  }
0x5: {  	s11 =	simm.s32 $0x4080;
	s12 =	simm.s32 $0x4880;
	s13 =	simm.s32 $0x5080  }
0x6: {  	s14 =	simm.s32 $0x5880;
	s15 =	simm.s32 $0x6080;
	s1 =	sand.u32 $0x1, s1  }
0x7: {  	s16 =	simm.s32 $0x6880;
	s2 =	sshll.u32 s0, $0x4;
	s3 =	sshll.u32 s1, $0x3  }
0x8: {  	s17 =	simm.s32 $0x7080;
	s3 =	sor.u32 s3, s2;
	s2 =	simm.s32 $0x0  }
0x9: {  	s18 =	simm.s32 $0x7880;
	s28 =	simm.s32 $0x1;
	[smem:$0x7FF] =	sst s2  }
0xa: {  	s29 =	simm.s32 $0x800;
	_ =	strace $0x8000004A;
	[dreg:$0x6] =	wrdreg s21  }
0xb: {  	s30 =	simm.s32 $0x1800;
	s1 =	ssub.s32 $0x2, s1;
	[dreg:$0x7] =	wrdreg s22  }
0xc: {  	s31 =	simm.s32 $0x2;
	s8 =	sshrl.u32 s1, $0x1;
	[dreg:$0x8] =	wrdreg s23  }
0xd: {  	s5 =	smul.u32 $0x300, s3;
	s3 =	sadd.s32 s3, s6;
	[dreg:$0x9] =	wrdreg s24  }
0xe: {  	s1 =	ssub.s32 s1, s8;
	s8 =	simm.s32 $0x4;
	[dreg:$0xa] =	wrdreg s25  }
0xf: {  	s7 =	sadd.s32 $0x1C00, s3;
	[dreg:$0xb] =	wrdreg s26;
	s21 =	simm.s32 $0x9080  }
0x10: {  	s22 =	simm.s32 $0x9880;
	s23 =	simm.s32 $0xA080;
	s24 =	simm.s32 $0xA880  }
0x11: {  	s25 =	simm.s32 $0xB080;
	s26 =	simm.s32 $0xB880;
	s3 =	sadd.s32 s4, s5  }
0x12: {  	s4 =	sadd.s32 $0x1E00, s6;
	[dreg:$0x3] =	wrdreg s7;
	s5 =	sadd.s32 $0x11E00, s6  }
0x13: {  	v2 =	vlaneseq.u32;
	s6 =	sadd.s32 $0x21E00, s6;
	s7 =	smax.u32 s1, $0x1;
	s19 =	sadd.s32 $0x100, s3  }
0x14: {  	vm0 =	vmmov $0xffff;
	v1 =	vshrl.u32 v2, $0x3;
	s1 =	simm.s32 $0x3;
	s20 =	sadd.s32 $0x200, s3;
	[dreg:$0x4] =	wrdreg s19  }
0x15: {  	v0 =	vand.u32 $0x7, v2;
	v2 =	vor.u32 $0x8, v2;
	v1 =	vmul.u32 $0x8, v1;
	[dreg:$0x5] =	wrdreg s20;
	s19 =	simm.s32 $0x8080;
	s20 =	simm.s32 $0x8880  }
.LBB2_1:
0x16: {  	s0 =	rddreg [dreg:$0x3]  }
0x17: {  	[tilespmem:s2], [sflag:$0x4] =	stream.linear.gather [hbm4b:s0+s2], $0x40, $0x38;
	[tilespmem:$0xC080] =	vst v63  }
0x18: {  	_ =	swait.ge [sflag:s8], $0x40  }
0x19: {  	[sflag:s8] =	ssyncset.done $0x0  }
0x1a: {  	[sflag:s8] =	ssyncadd.s32 $0xFFFFFFC0  }
0x1b: {  	v3 =	vld [tilespmem:$0x0];
	_ =	sdelay $0x4  }
0x1c: {  	v4 =	vshll.u32 v3, $0x1  }
0x1d: {  	v3 =	vand.u32 $0x7, v3;
	v4 =	vand.u32 $0xFFFFFFF0, v4  }
0x1e: {  	v3 =	vor.u32 v3, v4  }
0x1f: {  	v4 =	vperm.xlane v3, v0;
	_ =	sdelay $0x1  }
0x20: {  	v3 =	vperm.xlane v3, v2;
	v4 =	vadd.s32 v1, v4;
	_ =	sdelay $0x1  }
0x21: {  	v3 =	vadd.s32 v1, v3;
	_ =	sdelay $0x2  }
0x22: {  	[tilespmem:s9], [sflag:$0x1] =	stream.indirect_vreg.gather [hbm4b:s4+s2], $0x80, v4, vm0, $0xb8;
	[tilespmem:$0xC080] =	vst v63  }
0x23: {  	s10 =	rddreg [dreg:$0x6]  }
0x24: {  	[tilespmem:s10], [sflag:$0x1] =	stream.indirect_vreg.gather [hbm4b:s4+s2], $0x80, v3, vm0, $0xb8;
	[tilespmem:$0xC080] =	vst v63  }
0x25: {  	v3 =	vld [tilespmem:$0x10];
	_ =	sdelay $0x4  }
0x26: {  	v53 =	vshll.u32 v3, $0x1  }
0x27: {  	v3 =	vand.u32 $0x7, v3;
	v4 =	vand.u32 $0xFFFFFFF0, v53  }
0x28: {  	v3 =	vor.u32 v3, v4  }
0x29: {  	v4 =	vperm.xlane v3, v0;
	_ =	sdelay $0x1  }
0x2a: {  	v3 =	vperm.xlane v3, v2;
	v4 =	vadd.s32 v1, v4;
	_ =	sdelay $0x1  }
0x2b: {  	v3 =	vadd.s32 v1, v3;
	_ =	sdelay $0x1  }
0x2c: {  	s0 =	rddreg [dreg:$0x7]  }
0x2d: {  	[tilespmem:s0], [sflag:$0x1] =	stream.indirect_vreg.gather [hbm4b:s4+s2], $0x80, v4, vm0, $0xb8;
	[tilespmem:$0xC080] =	vst v63  }
0x2e: {  	s10 =	rddreg [dreg:$0x8]  }
0x2f: {  	[tilespmem:s10], [sflag:$0x1] =	stream.indirect_vreg.gather [hbm4b:s4+s2], $0x80, v3, vm0, $0xb8;
	[tilespmem:$0xC080] =	vst v63  }
0x30: {  	v3 =	vld [tilespmem:$0x20];
	_ =	sdelay $0x4  }
0x31: {  	v54 =	vshll.u32 v3, $0x1  }
0x32: {  	v3 =	vand.u32 $0x7, v3;
	v4 =	vand.u32 $0xFFFFFFF0, v54  }
0x33: {  	v3 =	vor.u32 v3, v4  }
0x34: {  	v4 =	vperm.xlane v3, v0;
	_ =	sdelay $0x1  }
0x35: {  	v3 =	vperm.xlane v3, v2;
	v4 =	vadd.s32 v1, v4;
	_ =	sdelay $0x1  }
0x36: {  	v3 =	vadd.s32 v1, v3;
	_ =	sdelay $0x1  }
0x37: {  	s0 =	rddreg [dreg:$0x9]  }
0x38: {  	[tilespmem:s0], [sflag:$0x1] =	stream.indirect_vreg.gather [hbm4b:s4+s2], $0x80, v4, vm0, $0xb8;
	[tilespmem:$0xC080] =	vst v63  }
0x39: {  	s10 =	rddreg [dreg:$0xa]  }
0x3a: {  	[tilespmem:s10], [sflag:$0x1] =	stream.indirect_vreg.gather [hbm4b:s4+s2], $0x80, v3, vm0, $0xb8;
	[tilespmem:$0xC080] =	vst v63  }
0x3b: {  	v3 =	vld [tilespmem:$0x30];
	_ =	sdelay $0x4  }
0x3c: {  	v55 =	vshll.u32 v3, $0x1  }
0x3d: {  	v3 =	vand.u32 $0x7, v3;
	v4 =	vand.u32 $0xFFFFFFF0, v55  }
0x3e: {  	v3 =	vor.u32 v3, v4  }
0x3f: {  	v4 =	vperm.xlane v3, v0;
	_ =	sdelay $0x1  }
0x40: {  	v3 =	vperm.xlane v3, v2;
	v4 =	vadd.s32 v1, v4;
	_ =	sdelay $0x1  }
0x41: {  	v3 =	vadd.s32 v1, v3;
	_ =	sdelay $0x1  }
0x42: {  	s10 =	rddreg [dreg:$0xb]  }
0x43: {  	[tilespmem:s10], [sflag:$0x1] =	stream.indirect_vreg.gather [hbm4b:s4+s2], $0x80, v4, vm0, $0xb8;
	[tilespmem:$0xC080] =	vst v63  }
0x44: {  	s10 =	simm.s32 $0x3880  }
0x45: {  	[tilespmem:s10], [sflag:$0x1] =	stream.indirect_vreg.gather [hbm4b:s4+s2], $0x80, v3, vm0, $0xb8;
	[tilespmem:$0xC080] =	vst v63  }
0x46: {  	v3 =	vld [tilespmem:$0x0];
	_ =	sdelay $0x4  }
0x47: {  	v56 =	vshll.u32 v3, $0x1  }
0x48: {  	v3 =	vand.u32 $0x7, v3;
	v4 =	vand.u32 $0xFFFFFFF0, v56  }
0x49: {  	v3 =	vor.u32 v3, v4  }
0x4a: {  	v4 =	vperm.xlane v3, v0;
	_ =	sdelay $0x1  }
0x4b: {  	v3 =	vperm.xlane v3, v2;
	v4 =	vadd.s32 v1, v4;
	_ =	sdelay $0x1  }
0x4c: {  	v3 =	vadd.s32 v1, v3;
	_ =	sdelay $0x2  }
0x4d: {  	[tilespmem:s11], [sflag:$0x2] =	stream.indirect_vreg.gather [hbm4b:s5+s2], $0x80, v4, vm0, $0xb8;
	[tilespmem:$0xC080] =	vst v63  }
0x4e: {  	_ = 	snop  }
0x4f: {  	[tilespmem:s12], [sflag:$0x2] =	stream.indirect_vreg.gather [hbm4b:s5+s2], $0x80, v3, vm0, $0xb8;
	[tilespmem:$0xC080] =	vst v63  }
0x50: {  	v3 =	vld [tilespmem:$0x10];
	_ =	sdelay $0x4  }
0x51: {  	v57 =	vshll.u32 v3, $0x1  }
0x52: {  	v3 =	vand.u32 $0x7, v3;
	v4 =	vand.u32 $0xFFFFFFF0, v57  }
0x53: {  	v3 =	vor.u32 v3, v4  }
0x54: {  	v4 =	vperm.xlane v3, v0;
	_ =	sdelay $0x1  }
0x55: {  	v3 =	vperm.xlane v3, v2;
	v4 =	vadd.s32 v1, v4;
	_ =	sdelay $0x1  }
0x56: {  	v3 =	vadd.s32 v1, v3;
	_ =	sdelay $0x2  }
0x57: {  	[tilespmem:s13], [sflag:$0x2] =	stream.indirect_vreg.gather [hbm4b:s5+s2], $0x80, v4, vm0, $0xb8;
	[tilespmem:$0xC080] =	vst v63  }
0x58: {  	_ = 	snop  }
0x59: {  	[tilespmem:s14], [sflag:$0x2] =	stream.indirect_vreg.gather [hbm4b:s5+s2], $0x80, v3, vm0, $0xb8;
	[tilespmem:$0xC080] =	vst v63  }
0x5a: {  	v3 =	vld [tilespmem:$0x20];
	_ =	sdelay $0x4  }
0x5b: {  	v58 =	vshll.u32 v3, $0x1  }
0x5c: {  	v3 =	vand.u32 $0x7, v3;
	v4 =	vand.u32 $0xFFFFFFF0, v58  }
0x5d: {  	v3 =	vor.u32 v3, v4  }
0x5e: {  	v4 =	vperm.xlane v3, v0;
	_ =	sdelay $0x1  }
0x5f: {  	v3 =	vperm.xlane v3, v2;
	v4 =	vadd.s32 v1, v4;
	_ =	sdelay $0x1  }
0x60: {  	v3 =	vadd.s32 v1, v3;
	_ =	sdelay $0x2  }
0x61: {  	[tilespmem:s15], [sflag:$0x2] =	stream.indirect_vreg.gather [hbm4b:s5+s2], $0x80, v4, vm0, $0xb8;
	[tilespmem:$0xC080] =	vst v63  }
0x62: {  	_ = 	snop  }
0x63: {  	[tilespmem:s16], [sflag:$0x2] =	stream.indirect_vreg.gather [hbm4b:s5+s2], $0x80, v3, vm0, $0xb8;
	[tilespmem:$0xC080] =	vst v63  }
0x64: {  	v3 =	vld [tilespmem:$0x30];
	_ =	sdelay $0x4  }
0x65: {  	v59 =	vshll.u32 v3, $0x1  }
0x66: {  	v3 =	vand.u32 $0x7, v3;
	v4 =	vand.u32 $0xFFFFFFF0, v59  }
0x67: {  	v3 =	vor.u32 v3, v4  }
0x68: {  	v4 =	vperm.xlane v3, v0;
	_ =	sdelay $0x1  }
0x69: {  	v3 =	vperm.xlane v3, v2;
	v4 =	vadd.s32 v1, v4;
	_ =	sdelay $0x1  }
0x6a: {  	v3 =	vadd.s32 v1, v3;
	_ =	sdelay $0x2  }
0x6b: {  	[tilespmem:s17], [sflag:$0x2] =	stream.indirect_vreg.gather [hbm4b:s5+s2], $0x80, v4, vm0, $0xb8;
	[tilespmem:$0xC080] =	vst v63  }
0x6c: {  	_ = 	snop  }
0x6d: {  	[tilespmem:s18], [sflag:$0x2] =	stream.indirect_vreg.gather [hbm4b:s5+s2], $0x80, v3, vm0, $0xb8;
	[tilespmem:$0xC080] =	vst v63  }
0x6e: {  	v3 =	vld [tilespmem:$0x0];
	_ =	sdelay $0x4  }
0x6f: {  	v60 =	vshll.u32 v3, $0x1  }
0x70: {  	v3 =	vand.u32 $0x7, v3;
	v4 =	vand.u32 $0xFFFFFFF0, v60  }
0x71: {  	v3 =	vor.u32 v3, v4  }
0x72: {  	v4 =	vperm.xlane v3, v0;
	_ =	sdelay $0x1  }
0x73: {  	v3 =	vperm.xlane v3, v2;
	v4 =	vadd.s32 v1, v4;
	_ =	sdelay $0x1  }
0x74: {  	v3 =	vadd.s32 v1, v3;
	_ =	sdelay $0x2  }
0x75: {  	[tilespmem:s19], [sflag:$0x3] =	stream.indirect_vreg.gather [hbm4b:s6+s2], $0x80, v4, vm0, $0xb8;
	[tilespmem:$0xC080] =	vst v63  }
0x76: {  	_ = 	snop  }
0x77: {  	[tilespmem:s20], [sflag:$0x3] =	stream.indirect_vreg.gather [hbm4b:s6+s2], $0x80, v3, vm0, $0xb8;
	[tilespmem:$0xC080] =	vst v63  }
0x78: {  	v3 =	vld [tilespmem:$0x10];
	_ =	sdelay $0x4  }
0x79: {  	v61 =	vshll.u32 v3, $0x1  }
0x7a: {  	v3 =	vand.u32 $0x7, v3;
	v4 =	vand.u32 $0xFFFFFFF0, v61  }
0x7b: {  	v3 =	vor.u32 v3, v4  }
0x7c: {  	v4 =	vperm.xlane v3, v0;
	_ =	sdelay $0x1  }
0x7d: {  	v3 =	vperm.xlane v3, v2;
	v4 =	vadd.s32 v1, v4;
	_ =	sdelay $0x1  }
0x7e: {  	v3 =	vadd.s32 v1, v3;
	_ =	sdelay $0x2  }
0x7f: {  	[tilespmem:s21], [sflag:$0x3] =	stream.indirect_vreg.gather [hbm4b:s6+s2], $0x80, v4, vm0, $0xb8;
	[tilespmem:$0xC080] =	vst v63  }
0x80: {  	_ = 	snop  }
0x81: {  	[tilespmem:s22], [sflag:$0x3] =	stream.indirect_vreg.gather [hbm4b:s6+s2], $0x80, v3, vm0, $0xb8;
	[tilespmem:$0xC080] =	vst v63  }
0x82: {  	v3 =	vld [tilespmem:$0x20];
	_ =	sdelay $0x4  }
0x83: {  	v62 =	vshll.u32 v3, $0x1  }
0x84: {  	v3 =	vand.u32 $0x7, v3;
	v4 =	vand.u32 $0xFFFFFFF0, v62  }
0x85: {  	v3 =	vor.u32 v3, v4  }
0x86: {  	v4 =	vperm.xlane v3, v0;
	_ =	sdelay $0x1  }
0x87: {  	v3 =	vperm.xlane v3, v2;
	v4 =	vadd.s32 v1, v4;
	_ =	sdelay $0x1  }
0x88: {  	v3 =	vadd.s32 v1, v3;
	_ =	sdelay $0x2  }
0x89: {  	[tilespmem:s23], [sflag:$0x3] =	stream.indirect_vreg.gather [hbm4b:s6+s2], $0x80, v4, vm0, $0xb8;
	[tilespmem:$0xC080] =	vst v63  }
0x8a: {  	_ = 	snop  }
0x8b: {  	[tilespmem:s24], [sflag:$0x3] =	stream.indirect_vreg.gather [hbm4b:s6+s2], $0x80, v3, vm0, $0xb8;
	[tilespmem:$0xC080] =	vst v63  }
0x8c: {  	v3 =	vld [tilespmem:$0x30];
	_ =	sdelay $0x4  }
0x8d: {  	v63 =	vshll.u32 v3, $0x1  }
0x8e: {  	v3 =	vand.u32 $0x7, v3;
	v4 =	vand.u32 $0xFFFFFFF0, v63  }
0x8f: {  	v3 =	vor.u32 v3, v4  }
0x90: {  	v4 =	vperm.xlane v3, v0;
	_ =	sdelay $0x1  }
0x91: {  	v3 =	vperm.xlane v3, v2;
	v4 =	vadd.s32 v1, v4;
	_ =	sdelay $0x1  }
0x92: {  	v3 =	vadd.s32 v1, v3;
	_ =	sdelay $0x2  }
0x93: {  	[tilespmem:s25], [sflag:$0x3] =	stream.indirect_vreg.gather [hbm4b:s6+s2], $0x80, v4, vm0, $0xb8;
	[tilespmem:$0xC080] =	vst v63  }
0x94: {  	_ = 	snop  }
0x95: {  	[tilespmem:s26], [sflag:$0x3] =	stream.indirect_vreg.gather [hbm4b:s6+s2], $0x80, v3, vm0, $0xb8;
	[tilespmem:$0xC080] =	vst v63  }
0x96: {  	_ =	swait.ge [sflag:s28], $0x4000  }
0x97: {  	[sflag:s28] =	ssyncset.done $0x0  }
0x98: {  	[sflag:s28] =	ssyncadd.s32 $0xFFFFC000  }
0x99: {  	[hbm4b:s3+s29] =	stream.strided.scatter [tilespmem:s9], [sflag:$0x4], $0x4000, s30, s29, $0x38;
	[tilespmem:$0xC080] =	vst v63  }
0x9a: {  	_ =	swait.ge [sflag:s8], $0x4000  }
0x9b: {  	[sflag:s8] =	ssyncset.done $0x0  }
0x9c: {  	[sflag:s8] =	ssyncadd.s32 $0xFFFFC000  }
0x9d: {  	_ =	swait.ge [sflag:s31], $0x4000  }
0x9e: {  	[sflag:s31] =	ssyncset.done $0x0  }
0x9f: {  	s10 =	rddreg [dreg:$0x4];
	[sflag:s31] =	ssyncadd.s32 $0xFFFFC000  }
0xa0: {  	[hbm4b:s10+s29] =	stream.strided.scatter [tilespmem:s11], [sflag:$0x4], $0x4000, s30, s29, $0x38;
	[tilespmem:$0xC080] =	vst v63  }
0xa1: {  	_ =	swait.ge [sflag:s8], $0x4000  }
0xa2: {  	[sflag:s8] =	ssyncset.done $0x0  }
0xa3: {  	[sflag:s8] =	ssyncadd.s32 $0xFFFFC000  }
0xa4: {  	_ =	swait.ge [sflag:s1], $0x4000  }
0xa5: {  	p0 =	sne.s32 s7, $0x1;
	[sflag:s1] =	ssyncset.done $0x0  }
.Ltmp0:
0xa6: {  	s10 =	rddreg [dreg:$0x5];
	[sflag:s1] =	ssyncadd.s32 $0xFFFFC000;
	(pc) =	sbr.rel @p0 .LBB2_1-.Ltmp0, $4  }
0xa7: {  	[hbm4b:s10+s29] =	stream.strided.scatter [tilespmem:s19], [sflag:$0x4], $0x4000, s30, s29, $0x38;
	[tilespmem:$0xC080] =	vst v63  }
0xa8: {  	_ =	swait.ge [sflag:s8], $0x4000  }
0xa9: {  	[sflag:s8] =	ssyncset.done $0x0  }
0xaa: {  	s7 =	sadd.s32 $0xFFFFFFFF, s7;
	[sflag:s8] =	ssyncadd.s32 $0xFFFFC000  }
0xab: {  	_ =	sfence.sel $0x180000  }
0xac: {  	[bflag:$0x0] =	sbarrier.arrive $0xFFFF  }
0xad: {  	_ =	strace $0x9000004A  }
0xae: {  	s0 =	stileid.u32;
	[bflag:$0x2] =	sbarrier.arrive $0xFFFF  }
0xaf: {  	p0 =	sne.s32 s0, $0x0;
	s0 =	rddreg [dreg:$0x2]  }
0xb0: {  	s0 =	sadd.s32 @!p0 $0x100000, s0  }
0xb1: {  	[sflag:s0] =	ssyncadd.tile.s32 @!p0 $0x1;
	_ =	shalt  }
.Lfunc_end2:
_tile_overlayer_lowered:
.L_overlay_start_2:
0xb2: {  	(tag) =	ssettag $0x2  }
0xb3: {  	s0 =	rddreg [dreg:$0x0];
	s2 =	stileid.u32  }
0xb4: {  	s1 =	rddreg [dreg:$0x1];
	p0 =	sne.s32 s2, $0x0  }
0xb5: {  	s3 =	rddreg [dreg:$0x2];
	[bflag:$0x3] =	sbarrier.arrive $0xFFFF;
	s2 =	simm.s32 @!p0 $0x1C04  }
0xb6: {  	[timem:s3], [sflag:s2] =	dma.local @!p0 [hbm:s0], s1  }
0xb7: {  	s0 =	simm.s32 @!p0 $0x4  }
0xb8: {  	_ =	swait.ge @!p0 [sflag:s0], s1  }
0xb9: {  	s1 =	ssub.s32 @!p0 $0x0, s1;
	[sflag:s0] =	ssyncset.done @!p0 $0x0  }
0xba: {  	[sflag:s0] =	ssyncadd.s32 @!p0 s1  }
0xbb: {  	[bflag:$0x3] =	sbarrier.arrive $0xFFFF  }
0xbc: {  	_ =	shalt  }

</sc_bundles>
